<compile_context>
chip_gen: v7x
topology: tpu7x:2x2x1
jax: 0.10.2.dev20260603
libtpu: 0.0.44.dev20260713+nightly
codegen_flags: <defaults>
</compile_context>

<pallas_src>
import functools

import jax
import jax.numpy as jnp
from jax import lax
from jax.experimental import pallas as pl
from jax.experimental.pallas import tpu as pltpu
from jax.experimental.pallas import tpu_sc as plsc

NUM_CORES = 2
LANES = 16
NUM_WORKERS = 32

BATCH = 16384
DIM = 32
B_PER_W = BATCH // NUM_WORKERS
GRP = 16
NGRP = B_PER_W // GRP

_mesh = plsc.VectorSubcoreMesh(core_axis_name="c", subcore_axis_name="s")


@functools.partial(
    pl.kernel,
    out_type=jax.ShapeDtypeStruct((BATCH,), jnp.float32),
    mesh=_mesh,
    scratch_types=[
        pltpu.VMEM((B_PER_W,), jnp.int32),
        pltpu.VMEM((B_PER_W,), jnp.int32),
        pltpu.VMEM((DIM, GRP * 128), jnp.float32),
        pltpu.VMEM((DIM, GRP), jnp.float32),
        pltpu.VMEM((B_PER_W,), jnp.float32),
        pltpu.SemaphoreType.DMA,
    ],
    compiler_params=pltpu.CompilerParams(
        needs_layout_passes=False),
)
def _sc_dot_kernel(utT, stT, uid_hbm, sid_hbm, out_hbm,
                   uids_v, sids_v, blk, ucols, out_v, sem):
    wid = lax.axis_index("s") * NUM_CORES + lax.axis_index("c")
    base = wid * B_PER_W

    pltpu.sync_copy(uid_hbm.at[pl.ds(base, B_PER_W)], uids_v)
    pltpu.sync_copy(sid_hbm.at[pl.ds(base, B_PER_W)], sids_v)

    lane = lax.iota(jnp.int32, LANES)

    def fetch_group(tab, ids_ref, g):
        gv = (ids_ref[pl.ds(g * GRP, GRP)] >> 7) * 128
        for i in range(GRP):
            jblk = pl.multiple_of(gv[i], 128)
            pltpu.async_copy(
                tab.at[:, pl.ds(jblk, 128)],
                blk.at[:, pl.ds(i * 128, 128)], sem)
        pltpu.make_async_copy(tab.at[:, pl.ds(0, GRP * 128)], blk, sem).wait()

    def extract_to(dst_ref, ids_v, g):
        idv = plsc.load_gather(ids_v, [g * GRP + lane])
        col = lane * 128 + (idv & 127)
        for d in range(DIM):
            dst_ref[d, pl.ds(0, GRP)] = plsc.load_gather(
                blk, [jnp.full((LANES,), d, jnp.int32), col])

    def group(g, carry):
        fetch_group(utT, uids_v, g)
        extract_to(ucols, uids_v, g)
        fetch_group(stT, sids_v, g)
        idv = plsc.load_gather(sids_v, [g * GRP + lane])
        col = lane * 128 + (idv & 127)
        acc = jnp.zeros((LANES,), jnp.float32)
        for d in range(DIM):
            sd = plsc.load_gather(
                blk, [jnp.full((LANES,), d, jnp.int32), col])
            acc = acc + sd * ucols[d, pl.ds(0, GRP)]
        out_v[pl.ds(g * GRP, GRP)] = acc
        return carry

    lax.fori_loop(0, NGRP, group, 0)

    pltpu.sync_copy(out_v, out_hbm.at[pl.ds(base, B_PER_W)])


def kernel(user_table, song_table, user_ids, song_ids):
    return _sc_dot_kernel(
        user_table.T, song_table.T,
        user_ids.astype(jnp.int32), song_ids.astype(jnp.int32))

# --- scband reference (transcript-rebuilt; emitter-appended) ---
"""Pipeline reference for scband-matrix-factorization-84035330113883 (READ-ONLY COPY).

The authoritative reference and input builder live on the scoring server;
editing this copy changes nothing except your own understanding.
"""

import jax, jax.numpy as jnp
import numpy as np

NUM_USERS = 1000000
NUM_SONGS = 1000000
EMBED_DIM = 32
BATCH = 16384

def setup_inputs(seed: int = 0) -> dict:
    key = jax.random.key(seed)
    k1, k2, k3, k4 = jax.random.split(key, 4)
    user_ids = jax.random.randint(k1, (BATCH,), 0, NUM_USERS, dtype=jnp.int64) if jax.config.jax_enable_x64 else jax.random.randint(k1, (BATCH,), 0, NUM_USERS, dtype=jnp.int32)
    song_ids = jax.random.randint(k2, (BATCH,), 0, NUM_SONGS, dtype=jnp.int32)
    user_table = jax.random.normal(k3, (NUM_USERS, EMBED_DIM), dtype=jnp.float32)
    song_table = jax.random.normal(k4, (NUM_SONGS, EMBED_DIM), dtype=jnp.float32)
    return {"user_table": user_table, "song_table": song_table, "user_ids": user_ids, "song_ids": song_ids}

def reference(user_table, song_table, user_ids, song_ids):
    user_factors = jnp.take(user_table, user_ids, axis=0)
    song_factors = jnp.take(song_table, song_ids, axis=0)
    return (user_factors * song_factors).sum(axis=1)

if __name__ == "__main__":
    import jax
    _d = setup_inputs()
    print(jax.jit(kernel)(*tuple(_d.values())))

</pallas_src>

<mosaic_0001>
#map = affine_map<(d0, d1) -> (0, 0)>
#map1 = affine_map<(d0, d1) -> (0)>
module attributes {stable_mosaic.version = 14 : i64} {
  func.func @_sc_dot_kernel(%arg0: i32, %arg1: i32, %arg2: memref<32x1000000xf32, #tpu.memory_space<hbm>>, %arg3: memref<32x1000000xf32, #tpu.memory_space<hbm>>, %arg4: memref<16384xi32, #tpu.memory_space<hbm>>, %arg5: memref<16384xi32, #tpu.memory_space<hbm>>, %arg6: memref<16384xf32, #tpu.memory_space<hbm>>, %arg7: memref<512xi32, #tpu.memory_space<vmem>>, %arg8: memref<512xi32, #tpu.memory_space<vmem>>, %arg9: memref<32x2048xf32, #tpu.memory_space<vmem>>, %arg10: memref<32x16xf32, #tpu.memory_space<vmem>>, %arg11: memref<512xf32, #tpu.memory_space<vmem>>, %arg12: memref<!tpu.dma_semaphore, #tpu.memory_space<semaphore_mem>>) attributes {dimension_semantics = [#tpu.dimension_semantics<core_parallel>, #tpu.dimension_semantics<subcore_parallel>], iteration_bounds = array<i64: 2, 16>, scalar_prefetch = 0 : i64, scratch_operands = 6 : i64, tpu.core_type = #tpu.core_type<sc_vector_subcore>, window_params = [{transform_indices = #map}, {transform_indices = #map}, {transform_indices = #map1}, {transform_indices = #map1}, {transform_indices = #map1}]} {
    %mul3A = arith.constant 2 : i32
    %mul3A_0 = arith.muli %arg1, %mul3A : i32
    %add3A = arith.addi %mul3A_0, %arg0 : i32
    %mul3A_1 = arith.constant 512 : i32
    %mul3A_2 = arith.muli %add3A, %mul3A_1 : i32
    "tpu.region"() ({
      %run_scoped3A = tpu.sem_alloc : memref<!tpu.dma_semaphore, #tpu.memory_space<semaphore_mem>>
      %dma_start3A = tpu.memref_slice %arg4[%mul3A_2] : memref<16384xi32, #tpu.memory_space<hbm>> -> memref<512xi32, #tpu.memory_space<hbm>>
      %dma_start3A_8 = tpu.memref_slice %arg4[%mul3A_2] : memref<16384xi32, #tpu.memory_space<hbm>> -> memref<512xi32, #tpu.memory_space<hbm>>
      tpu.enqueue_dma source(%dma_start3A_8 : memref<512xi32, #tpu.memory_space<hbm>>) target(%arg7 : memref<512xi32, #tpu.memory_space<vmem>>) target_semaphore(%run_scoped3A : memref<!tpu.dma_semaphore, #tpu.memory_space<semaphore_mem>>)
      %dma_wait3A = tpu.memref_slice %arg4[%mul3A_2] : memref<16384xi32, #tpu.memory_space<hbm>> -> memref<512xi32, #tpu.memory_space<hbm>>
      %dma_wait3A_9 = tpu.memref_slice %arg4[%mul3A_2] : memref<16384xi32, #tpu.memory_space<hbm>> -> memref<512xi32, #tpu.memory_space<hbm>>
      tpu.wait_dma2 semaphore(%run_scoped3A : memref<!tpu.dma_semaphore, #tpu.memory_space<semaphore_mem>>) src(%dma_wait3A_9 : memref<512xi32, #tpu.memory_space<hbm>>) dst(%arg7 : memref<512xi32, #tpu.memory_space<vmem>>)
      tpu.yield
    }) : () -> ()
    "tpu.region"() ({
      %run_scoped3A = tpu.sem_alloc : memref<!tpu.dma_semaphore, #tpu.memory_space<semaphore_mem>>
      %dma_start3A = tpu.memref_slice %arg5[%mul3A_2] : memref<16384xi32, #tpu.memory_space<hbm>> -> memref<512xi32, #tpu.memory_space<hbm>>
      %dma_start3A_8 = tpu.memref_slice %arg5[%mul3A_2] : memref<16384xi32, #tpu.memory_space<hbm>> -> memref<512xi32, #tpu.memory_space<hbm>>
      tpu.enqueue_dma source(%dma_start3A_8 : memref<512xi32, #tpu.memory_space<hbm>>) target(%arg8 : memref<512xi32, #tpu.memory_space<vmem>>) target_semaphore(%run_scoped3A : memref<!tpu.dma_semaphore, #tpu.memory_space<semaphore_mem>>)
      %dma_wait3A = tpu.memref_slice %arg5[%mul3A_2] : memref<16384xi32, #tpu.memory_space<hbm>> -> memref<512xi32, #tpu.memory_space<hbm>>
      %dma_wait3A_9 = tpu.memref_slice %arg5[%mul3A_2] : memref<16384xi32, #tpu.memory_space<hbm>> -> memref<512xi32, #tpu.memory_space<hbm>>
      tpu.wait_dma2 semaphore(%run_scoped3A : memref<!tpu.dma_semaphore, #tpu.memory_space<semaphore_mem>>) src(%dma_wait3A_9 : memref<512xi32, #tpu.memory_space<hbm>>) dst(%arg8 : memref<512xi32, #tpu.memory_space<vmem>>)
      tpu.yield
    }) : () -> ()
    %iota3A = tpu.iota {dimensions = array<i32: 0>} : vector<16xi32>
    %scan3A = arith.constant 0 : i32
    %scan3A_3 = arith.constant 0 : i32
    %scan3A_4 = arith.constant 32 : i32
    %scan3A_5 = arith.addi %scan3A_3, %scan3A_4 : i32
    %scan3A_6 = arith.constant 1 : i32
    scf.for %scan3A_8 = %scan3A_3 to %scan3A_5 step %scan3A_6  : i32 {
      %mul3A_9 = arith.constant 16 : i32
      %mul3A_10 = arith.muli %scan3A_8, %mul3A_9 : i32
      %get3A = arith.index_cast %mul3A_10 : i32 to index
      %get3A_11 = tpu.vector_load %arg7[%get3A] {strides = array<i32>} : memref<512xi32, #tpu.memory_space<vmem>>, vector<16xi32>,
      %shift_right_arithmetic3A = arith.constant 7 : i32
      %shift_right_arithmetic3A_12 = vector.broadcast %shift_right_arithmetic3A : i32 to vector<16xi32>
      %shift_right_arithmetic3A_13 = arith.shrsi %get3A_11, %shift_right_arithmetic3A_12 : vector<16xi32>
      %mul3A_14 = arith.constant 128 : i32
      %mul3A_15 = vector.broadcast %mul3A_14 : i32 to vector<16xi32>
      %mul3A_16 = arith.muli %shift_right_arithmetic3A_13, %mul3A_15 : vector<16xi32>
      %slice3A = vector.extract_strided_slice %mul3A_16 {offsets = [0], sizes = [1], strides = [1]} : vector<16xi32> to vector<1xi32>
      %squeeze3A = vector.extract %slice3A[0] : i32 from vector<1xi32>
      %multiple_of3A = tpu.assume_multiple %squeeze3A, 128 : i32
      %dma_start3A = arith.constant 0 : i32
      %dma_start3A_17 = arith.constant 0 : i32
      %dma_start3A_18 = tpu.memref_slice %arg9[%dma_start3A, %dma_start3A_17] : memref<32x2048xf32, #tpu.memory_space<vmem>> -> memref<32x128xf32, #tpu.memory_space<vmem>>
      %dma_start3A_19 = arith.constant 0 : i32
      %dma_start3A_20 = tpu.memref_slice %arg2[%dma_start3A_19, %multiple_of3A] : memref<32x1000000xf32, #tpu.memory_space<hbm>> -> memref<32x128xf32, #tpu.memory_space<hbm>>
      %dma_start3A_21 = arith.constant 0 : i32
      %dma_start3A_22 = arith.constant 0 : i32
      %dma_start3A_23 = tpu.memref_slice %arg9[%dma_start3A_21, %dma_start3A_22] : memref<32x2048xf32, #tpu.memory_space<vmem>> -> memref<32x128xf32, #tpu.memory_space<vmem>>
      %dma_start3A_24 = arith.constant 0 : i32
      %dma_start3A_25 = tpu.memref_slice %arg2[%dma_start3A_24, %multiple_of3A] : memref<32x1000000xf32, #tpu.memory_space<hbm>> -> memref<32x128xf32, #tpu.memory_space<hbm>>
      tpu.enqueue_dma source(%dma_start3A_25 : memref<32x128xf32, #tpu.memory_space<hbm>>) target(%dma_start3A_23 : memref<32x128xf32, #tpu.memory_space<vmem>>) target_semaphore(%arg12 : memref<!tpu.dma_semaphore, #tpu.memory_space<semaphore_mem>>)
      %slice3A_26 = vector.extract_strided_slice %mul3A_16 {offsets = [1], sizes = [1], strides = [1]} : vector<16xi32> to vector<1xi32>
      %squeeze3A_27 = vector.extract %slice3A_26[0] : i32 from vector<1xi32>
      %multiple_of3A_28 = tpu.assume_multiple %squeeze3A_27, 128 : i32
      %dma_start3A_29 = arith.constant 0 : i32
      %dma_start3A_30 = arith.constant 128 : i32
      %dma_start3A_31 = tpu.memref_slice %arg9[%dma_start3A_29, %dma_start3A_30] : memref<32x2048xf32, #tpu.memory_space<vmem>> -> memref<32x128xf32, #tpu.memory_space<vmem>>
      %dma_start3A_32 = arith.constant 0 : i32
      %dma_start3A_33 = tpu.memref_slice %arg2[%dma_start3A_32, %multiple_of3A_28] : memref<32x1000000xf32, #tpu.memory_space<hbm>> -> memref<32x128xf32, #tpu.memory_space<hbm>>
      %dma_start3A_34 = arith.constant 0 : i32
      %dma_start3A_35 = arith.constant 128 : i32
      %dma_start3A_36 = tpu.memref_slice %arg9[%dma_start3A_34, %dma_start3A_35] : memref<32x2048xf32, #tpu.memory_space<vmem>> -> memref<32x128xf32, #tpu.memory_space<vmem>>
      %dma_start3A_37 = arith.constant 0 : i32
      %dma_start3A_38 = tpu.memref_slice %arg2[%dma_start3A_37, %multiple_of3A_28] : memref<32x1000000xf32, #tpu.memory_space<hbm>> -> memref<32x128xf32, #tpu.memory_space<hbm>>
      tpu.enqueue_dma source(%dma_start3A_38 : memref<32x128xf32, #tpu.memory_space<hbm>>) target(%dma_start3A_36 : memref<32x128xf32, #tpu.memory_space<vmem>>) target_semaphore(%arg12 : memref<!tpu.dma_semaphore, #tpu.memory_space<semaphore_mem>>)
      %slice3A_39 = vector.extract_strided_slice %mul3A_16 {offsets = [2], sizes = [1], strides = [1]} : vector<16xi32> to vector<1xi32>
      %squeeze3A_40 = vector.extract %slice3A_39[0] : i32 from vector<1xi32>
      %multiple_of3A_41 = tpu.assume_multiple %squeeze3A_40, 128 : i32
      %dma_start3A_42 = arith.constant 0 : i32
      %dma_start3A_43 = arith.constant 256 : i32
      %dma_start3A_44 = tpu.memref_slice %arg9[%dma_start3A_42, %dma_start3A_43] : memref<32x2048xf32, #tpu.memory_space<vmem>> -> memref<32x128xf32, #tpu.memory_space<vmem>>
      %dma_start3A_45 = arith.constant 0 : i32
      %dma_start3A_46 = tpu.memref_slice %arg2[%dma_start3A_45, %multiple_of3A_41] : memref<32x1000000xf32, #tpu.memory_space<hbm>> -> memref<32x128xf32, #tpu.memory_space<hbm>>
      %dma_start3A_47 = arith.constant 0 : i32
      %dma_start3A_48 = arith.constant 256 : i32
      %dma_start3A_49 = tpu.memref_slice %arg9[%dma_start3A_47, %dma_start3A_48] : memref<32x2048xf32, #tpu.memory_space<vmem>> -> memref<32x128xf32, #tpu.memory_space<vmem>>
      %dma_start3A_50 = arith.constant 0 : i32
      %dma_start3A_51 = tpu.memref_slice %arg2[%dma_start3A_50, %multiple_of3A_41] : memref<32x1000000xf32, #tpu.memory_space<hbm>> -> memref<32x128xf32, #tpu.memory_space<hbm>>
      tpu.enqueue_dma source(%dma_start3A_51 : memref<32x128xf32, #tpu.memory_space<hbm>>) target(%dma_start3A_49 : memref<32x128xf32, #tpu.memory_space<vmem>>) target_semaphore(%arg12 : memref<!tpu.dma_semaphore, #tpu.memory_space<semaphore_mem>>)
      %slice3A_52 = vector.extract_strided_slice %mul3A_16 {offsets = [3], sizes = [1], strides = [1]} : vector<16xi32> to vector<1xi32>
      %squeeze3A_53 = vector.extract %slice3A_52[0] : i32 from vector<1xi32>
      %multiple_of3A_54 = tpu.assume_multiple %squeeze3A_53, 128 : i32
      %dma_start3A_55 = arith.constant 0 : i32
      %dma_start3A_56 = arith.constant 384 : i32
      %dma_start3A_57 = tpu.memref_slice %arg9[%dma_start3A_55, %dma_start3A_56] : memref<32x2048xf32, #tpu.memory_space<vmem>> -> memref<32x128xf32, #tpu.memory_space<vmem>>
      %dma_start3A_58 = arith.constant 0 : i32
      %dma_start3A_59 = tpu.memref_slice %arg2[%dma_start3A_58, %multiple_of3A_54] : memref<32x1000000xf32, #tpu.memory_space<hbm>> -> memref<32x128xf32, #tpu.memory_space<hbm>>
      %dma_start3A_60 = arith.constant 0 : i32
      %dma_start3A_61 = arith.constant 384 : i32
      %dma_start3A_62 = tpu.memref_slice %arg9[%dma_start3A_60, %dma_start3A_61] : memref<32x2048xf32, #tpu.memory_space<vmem>> -> memref<32x128xf32, #tpu.memory_space<vmem>>
      %dma_start3A_63 = arith.constant 0 : i32
      %dma_start3A_64 = tpu.memref_slice %arg2[%dma_start3A_63, %multiple_of3A_54] : memref<32x1000000xf32, #tpu.memory_space<hbm>> -> memref<32x128xf32, #tpu.memory_space<hbm>>
      tpu.enqueue_dma source(%dma_start3A_64 : memref<32x128xf32, #tpu.memory_space<hbm>>) target(%dma_start3A_62 : memref<32x128xf32, #tpu.memory_space<vmem>>) target_semaphore(%arg12 : memref<!tpu.dma_semaphore, #tpu.memory_space<semaphore_mem>>)
      %slice3A_65 = vector.extract_strided_slice %mul3A_16 {offsets = [4], sizes = [1], strides = [1]} : vector<16xi32> to vector<1xi32>
      %squeeze3A_66 = vector.extract %slice3A_65[0] : i32 from vector<1xi32>
      %multiple_of3A_67 = tpu.assume_multiple %squeeze3A_66, 128 : i32
      %dma_start3A_68 = arith.constant 0 : i32
      %dma_start3A_69 = arith.constant 512 : i32
      %dma_start3A_70 = tpu.memref_slice %arg9[%dma_start3A_68, %dma_start3A_69] : memref<32x2048xf32, #tpu.memory_space<vmem>> -> memref<32x128xf32, #tpu.memory_space<vmem>>
      %dma_start3A_71 = arith.constant 0 : i32
      %dma_start3A_72 = tpu.memref_slice %arg2[%dma_start3A_71, %multiple_of3A_67] : memref<32x1000000xf32, #tpu.memory_space<hbm>> -> memref<32x128xf32, #tpu.memory_space<hbm>>
      %dma_start3A_73 = arith.constant 0 : i32
      %dma_start3A_74 = arith.constant 512 : i32
      %dma_start3A_75 = tpu.memref_slice %arg9[%dma_start3A_73, %dma_start3A_74] : memref<32x2048xf32, #tpu.memory_space<vmem>> -> memref<32x128xf32, #tpu.memory_space<vmem>>
      %dma_start3A_76 = arith.constant 0 : i32
      %dma_start3A_77 = tpu.memref_slice %arg2[%dma_start3A_76, %multiple_of3A_67] : memref<32x1000000xf32, #tpu.memory_space<hbm>> -> memref<32x128xf32, #tpu.memory_space<hbm>>
      tpu.enqueue_dma source(%dma_start3A_77 : memref<32x128xf32, #tpu.memory_space<hbm>>) target(%dma_start3A_75 : memref<32x128xf32, #tpu.memory_space<vmem>>) target_semaphore(%arg12 : memref<!tpu.dma_semaphore, #tpu.memory_space<semaphore_mem>>)
      %slice3A_78 = vector.extract_strided_slice %mul3A_16 {offsets = [5], sizes = [1], strides = [1]} : vector<16xi32> to vector<1xi32>
      %squeeze3A_79 = vector.extract %slice3A_78[0] : i32 from vector<1xi32>
      %multiple_of3A_80 = tpu.assume_multiple %squeeze3A_79, 128 : i32
      %dma_start3A_81 = arith.constant 0 : i32
      %dma_start3A_82 = arith.constant 640 : i32
      %dma_start3A_83 = tpu.memref_slice %arg9[%dma_start3A_81, %dma_start3A_82] : memref<32x2048xf32, #tpu.memory_space<vmem>> -> memref<32x128xf32, #tpu.memory_space<vmem>>
      %dma_start3A_84 = arith.constant 0 : i32
      %dma_start3A_85 = tpu.memref_slice %arg2[%dma_start3A_84, %multiple_of3A_80] : memref<32x1000000xf32, #tpu.memory_space<hbm>> -> memref<32x128xf32, #tpu.memory_space<hbm>>
      %dma_start3A_86 = arith.constant 0 : i32
      %dma_start3A_87 = arith.constant 640 : i32
      %dma_start3A_88 = tpu.memref_slice %arg9[%dma_start3A_86, %dma_start3A_87] : memref<32x2048xf32, #tpu.memory_space<vmem>> -> memref<32x128xf32, #tpu.memory_space<vmem>>
      %dma_start3A_89 = arith.constant 0 : i32
      %dma_start3A_90 = tpu.memref_slice %arg2[%dma_start3A_89, %multiple_of3A_80] : memref<32x1000000xf32, #tpu.memory_space<hbm>> -> memref<32x128xf32, #tpu.memory_space<hbm>>
      tpu.enqueue_dma source(%dma_start3A_90 : memref<32x128xf32, #tpu.memory_space<hbm>>) target(%dma_start3A_88 : memref<32x128xf32, #tpu.memory_space<vmem>>) target_semaphore(%arg12 : memref<!tpu.dma_semaphore, #tpu.memory_space<semaphore_mem>>)
      %slice3A_91 = vector.extract_strided_slice %mul3A_16 {offsets = [6], sizes = [1], strides = [1]} : vector<16xi32> to vector<1xi32>
      %squeeze3A_92 = vector.extract %slice3A_91[0] : i32 from vector<1xi32>
      %multiple_of3A_93 = tpu.assume_multiple %squeeze3A_92, 128 : i32
      %dma_start3A_94 = arith.constant 0 : i32
      %dma_start3A_95 = arith.constant 768 : i32
      %dma_start3A_96 = tpu.memref_slice %arg9[%dma_start3A_94, %dma_start3A_95] : memref<32x2048xf32, #tpu.memory_space<vmem>> -> memref<32x128xf32, #tpu.memory_space<vmem>>
      %dma_start3A_97 = arith.constant 0 : i32
      %dma_start3A_98 = tpu.memref_slice %arg2[%dma_start3A_97, %multiple_of3A_93] : memref<32x1000000xf32, #tpu.memory_space<hbm>> -> memref<32x128xf32, #tpu.memory_space<hbm>>
      %dma_start3A_99 = arith.constant 0 : i32
      %dma_start3A_100 = arith.constant 768 : i32
      %dma_start3A_101 = tpu.memref_slice %arg9[%dma_start3A_99, %dma_start3A_100] : memref<32x2048xf32, #tpu.memory_space<vmem>> -> memref<32x128xf32, #tpu.memory_space<vmem>>
      %dma_start3A_102 = arith.constant 0 : i32
      %dma_start3A_103 = tpu.memref_slice %arg2[%dma_start3A_102, %multiple_of3A_93] : memref<32x1000000xf32, #tpu.memory_space<hbm>> -> memref<32x128xf32, #tpu.memory_space<hbm>>
      tpu.enqueue_dma source(%dma_start3A_103 : memref<32x128xf32, #tpu.memory_space<hbm>>) target(%dma_start3A_101 : memref<32x128xf32, #tpu.memory_space<vmem>>) target_semaphore(%arg12 : memref<!tpu.dma_semaphore, #tpu.memory_space<semaphore_mem>>)
      %slice3A_104 = vector.extract_strided_slice %mul3A_16 {offsets = [7], sizes = [1], strides = [1]} : vector<16xi32> to vector<1xi32>
      %squeeze3A_105 = vector.extract %slice3A_104[0] : i32 from vector<1xi32>
      %multiple_of3A_106 = tpu.assume_multiple %squeeze3A_105, 128 : i32
      %dma_start3A_107 = arith.constant 0 : i32
      %dma_start3A_108 = arith.constant 896 : i32
      %dma_start3A_109 = tpu.memref_slice %arg9[%dma_start3A_107, %dma_start3A_108] : memref<32x2048xf32, #tpu.memory_space<vmem>> -> memref<32x128xf32, #tpu.memory_space<vmem>>
      %dma_start3A_110 = arith.constant 0 : i32
      %dma_start3A_111 = tpu.memref_slice %arg2[%dma_start3A_110, %multiple_of3A_106] : memref<32x1000000xf32, #tpu.memory_space<hbm>> -> memref<32x128xf32, #tpu.memory_space<hbm>>
      %dma_start3A_112 = arith.constant 0 : i32
      %dma_start3A_113 = arith.constant 896 : i32
      %dma_start3A_114 = tpu.memref_slice %arg9[%dma_start3A_112, %dma_start3A_113] : memref<32x2048xf32, #tpu.memory_space<vmem>> -> memref<32x128xf32, #tpu.memory_space<vmem>>
      %dma_start3A_115 = arith.constant 0 : i32
      %dma_start3A_116 = tpu.memref_slice %arg2[%dma_start3A_115, %multiple_of3A_106] : memref<32x1000000xf32, #tpu.memory_space<hbm>> -> memref<32x128xf32, #tpu.memory_space<hbm>>
      tpu.enqueue_dma source(%dma_start3A_116 : memref<32x128xf32, #tpu.memory_space<hbm>>) target(%dma_start3A_114 : memref<32x128xf32, #tpu.memory_space<vmem>>) target_semaphore(%arg12 : memref<!tpu.dma_semaphore, #tpu.memory_space<semaphore_mem>>)
      %slice3A_117 = vector.extract_strided_slice %mul3A_16 {offsets = [8], sizes = [1], strides = [1]} : vector<16xi32> to vector<1xi32>
      %squeeze3A_118 = vector.extract %slice3A_117[0] : i32 from vector<1xi32>
      %multiple_of3A_119 = tpu.assume_multiple %squeeze3A_118, 128 : i32
      %dma_start3A_120 = arith.constant 0 : i32
      %dma_start3A_121 = arith.constant 1024 : i32
      %dma_start3A_122 = tpu.memref_slice %arg9[%dma_start3A_120, %dma_start3A_121] : memref<32x2048xf32, #tpu.memory_space<vmem>> -> memref<32x128xf32, #tpu.memory_space<vmem>>
      %dma_start3A_123 = arith.constant 0 : i32
      %dma_start3A_124 = tpu.memref_slice %arg2[%dma_start3A_123, %multiple_of3A_119] : memref<32x1000000xf32, #tpu.memory_space<hbm>> -> memref<32x128xf32, #tpu.memory_space<hbm>>
      %dma_start3A_125 = arith.constant 0 : i32
      %dma_start3A_126 = arith.constant 1024 : i32
      %dma_start3A_127 = tpu.memref_slice %arg9[%dma_start3A_125, %dma_start3A_126] : memref<32x2048xf32, #tpu.memory_space<vmem>> -> memref<32x128xf32, #tpu.memory_space<vmem>>
      %dma_start3A_128 = arith.constant 0 : i32
      %dma_start3A_129 = tpu.memref_slice %arg2[%dma_start3A_128, %multiple_of3A_119] : memref<32x1000000xf32, #tpu.memory_space<hbm>> -> memref<32x128xf32, #tpu.memory_space<hbm>>
      tpu.enqueue_dma source(%dma_start3A_129 : memref<32x128xf32, #tpu.memory_space<hbm>>) target(%dma_start3A_127 : memref<32x128xf32, #tpu.memory_space<vmem>>) target_semaphore(%arg12 : memref<!tpu.dma_semaphore, #tpu.memory_space<semaphore_mem>>)
      %slice3A_130 = vector.extract_strided_slice %mul3A_16 {offsets = [9], sizes = [1], strides = [1]} : vector<16xi32> to vector<1xi32>
      %squeeze3A_131 = vector.extract %slice3A_130[0] : i32 from vector<1xi32>
      %multiple_of3A_132 = tpu.assume_multiple %squeeze3A_131, 128 : i32
      %dma_start3A_133 = arith.constant 0 : i32
      %dma_start3A_134 = arith.constant 1152 : i32
      %dma_start3A_135 = tpu.memref_slice %arg9[%dma_start3A_133, %dma_start3A_134] : memref<32x2048xf32, #tpu.memory_space<vmem>> -> memref<32x128xf32, #tpu.memory_space<vmem>>
      %dma_start3A_136 = arith.constant 0 : i32
      %dma_start3A_137 = tpu.memref_slice %arg2[%dma_start3A_136, %multiple_of3A_132] : memref<32x1000000xf32, #tpu.memory_space<hbm>> -> memref<32x128xf32, #tpu.memory_space<hbm>>
      %dma_start3A_138 = arith.constant 0 : i32
      %dma_start3A_139 = arith.constant 1152 : i32
      %dma_start3A_140 = tpu.memref_slice %arg9[%dma_start3A_138, %dma_start3A_139] : memref<32x2048xf32, #tpu.memory_space<vmem>> -> memref<32x128xf32, #tpu.memory_space<vmem>>
      %dma_start3A_141 = arith.constant 0 : i32
      %dma_start3A_142 = tpu.memref_slice %arg2[%dma_start3A_141, %multiple_of3A_132] : memref<32x1000000xf32, #tpu.memory_space<hbm>> -> memref<32x128xf32, #tpu.memory_space<hbm>>
      tpu.enqueue_dma source(%dma_start3A_142 : memref<32x128xf32, #tpu.memory_space<hbm>>) target(%dma_start3A_140 : memref<32x128xf32, #tpu.memory_space<vmem>>) target_semaphore(%arg12 : memref<!tpu.dma_semaphore, #tpu.memory_space<semaphore_mem>>)
      %slice3A_143 = vector.extract_strided_slice %mul3A_16 {offsets = [10], sizes = [1], strides = [1]} : vector<16xi32> to vector<1xi32>
      %squeeze3A_144 = vector.extract %slice3A_143[0] : i32 from vector<1xi32>
      %multiple_of3A_145 = tpu.assume_multiple %squeeze3A_144, 128 : i32
      %dma_start3A_146 = arith.constant 0 : i32
      %dma_start3A_147 = arith.constant 1280 : i32
      %dma_start3A_148 = tpu.memref_slice %arg9[%dma_start3A_146, %dma_start3A_147] : memref<32x2048xf32, #tpu.memory_space<vmem>> -> memref<32x128xf32, #tpu.memory_space<vmem>>
      %dma_start3A_149 = arith.constant 0 : i32
      %dma_start3A_150 = tpu.memref_slice %arg2[%dma_start3A_149, %multiple_of3A_145] : memref<32x1000000xf32, #tpu.memory_space<hbm>> -> memref<32x128xf32, #tpu.memory_space<hbm>>
      %dma_start3A_151 = arith.constant 0 : i32
      %dma_start3A_152 = arith.constant 1280 : i32
      %dma_start3A_153 = tpu.memref_slice %arg9[%dma_start3A_151, %dma_start3A_152] : memref<32x2048xf32, #tpu.memory_space<vmem>> -> memref<32x128xf32, #tpu.memory_space<vmem>>
      %dma_start3A_154 = arith.constant 0 : i32
      %dma_start3A_155 = tpu.memref_slice %arg2[%dma_start3A_154, %multiple_of3A_145] : memref<32x1000000xf32, #tpu.memory_space<hbm>> -> memref<32x128xf32, #tpu.memory_space<hbm>>
      tpu.enqueue_dma source(%dma_start3A_155 : memref<32x128xf32, #tpu.memory_space<hbm>>) target(%dma_start3A_153 : memref<32x128xf32, #tpu.memory_space<vmem>>) target_semaphore(%arg12 : memref<!tpu.dma_semaphore, #tpu.memory_space<semaphore_mem>>)
      %slice3A_156 = vector.extract_strided_slice %mul3A_16 {offsets = [11], sizes = [1], strides = [1]} : vector<16xi32> to vector<1xi32>
      %squeeze3A_157 = vector.extract %slice3A_156[0] : i32 from vector<1xi32>
      %multiple_of3A_158 = tpu.assume_multiple %squeeze3A_157, 128 : i32
      %dma_start3A_159 = arith.constant 0 : i32
      %dma_start3A_160 = arith.constant 1408 : i32
      %dma_start3A_161 = tpu.memref_slice %arg9[%dma_start3A_159, %dma_start3A_160] : memref<32x2048xf32, #tpu.memory_space<vmem>> -> memref<32x128xf32, #tpu.memory_space<vmem>>
      %dma_start3A_162 = arith.constant 0 : i32
      %dma_start3A_163 = tpu.memref_slice %arg2[%dma_start3A_162, %multiple_of3A_158] : memref<32x1000000xf32, #tpu.memory_space<hbm>> -> memref<32x128xf32, #tpu.memory_space<hbm>>
      %dma_start3A_164 = arith.constant 0 : i32
      %dma_start3A_165 = arith.constant 1408 : i32
      %dma_start3A_166 = tpu.memref_slice %arg9[%dma_start3A_164, %dma_start3A_165] : memref<32x2048xf32, #tpu.memory_space<vmem>> -> memref<32x128xf32, #tpu.memory_space<vmem>>
      %dma_start3A_167 = arith.constant 0 : i32
      %dma_start3A_168 = tpu.memref_slice %arg2[%dma_start3A_167, %multiple_of3A_158] : memref<32x1000000xf32, #tpu.memory_space<hbm>> -> memref<32x128xf32, #tpu.memory_space<hbm>>
      tpu.enqueue_dma source(%dma_start3A_168 : memref<32x128xf32, #tpu.memory_space<hbm>>) target(%dma_start3A_166 : memref<32x128xf32, #tpu.memory_space<vmem>>) target_semaphore(%arg12 : memref<!tpu.dma_semaphore, #tpu.memory_space<semaphore_mem>>)
      %slice3A_169 = vector.extract_strided_slice %mul3A_16 {offsets = [12], sizes = [1], strides = [1]} : vector<16xi32> to vector<1xi32>
      %squeeze3A_170 = vector.extract %slice3A_169[0] : i32 from vector<1xi32>
      %multiple_of3A_171 = tpu.assume_multiple %squeeze3A_170, 128 : i32
      %dma_start3A_172 = arith.constant 0 : i32
      %dma_start3A_173 = arith.constant 1536 : i32
      %dma_start3A_174 = tpu.memref_slice %arg9[%dma_start3A_172, %dma_start3A_173] : memref<32x2048xf32, #tpu.memory_space<vmem>> -> memref<32x128xf32, #tpu.memory_space<vmem>>
      %dma_start3A_175 = arith.constant 0 : i32
      %dma_start3A_176 = tpu.memref_slice %arg2[%dma_start3A_175, %multiple_of3A_171] : memref<32x1000000xf32, #tpu.memory_space<hbm>> -> memref<32x128xf32, #tpu.memory_space<hbm>>
      %dma_start3A_177 = arith.constant 0 : i32
      %dma_start3A_178 = arith.constant 1536 : i32
      %dma_start3A_179 = tpu.memref_slice %arg9[%dma_start3A_177, %dma_start3A_178] : memref<32x2048xf32, #tpu.memory_space<vmem>> -> memref<32x128xf32, #tpu.memory_space<vmem>>
      %dma_start3A_180 = arith.constant 0 : i32
      %dma_start3A_181 = tpu.memref_slice %arg2[%dma_start3A_180, %multiple_of3A_171] : memref<32x1000000xf32, #tpu.memory_space<hbm>> -> memref<32x128xf32, #tpu.memory_space<hbm>>
      tpu.enqueue_dma source(%dma_start3A_181 : memref<32x128xf32, #tpu.memory_space<hbm>>) target(%dma_start3A_179 : memref<32x128xf32, #tpu.memory_space<vmem>>) target_semaphore(%arg12 : memref<!tpu.dma_semaphore, #tpu.memory_space<semaphore_mem>>)
      %slice3A_182 = vector.extract_strided_slice %mul3A_16 {offsets = [13], sizes = [1], strides = [1]} : vector<16xi32> to vector<1xi32>
      %squeeze3A_183 = vector.extract %slice3A_182[0] : i32 from vector<1xi32>
      %multiple_of3A_184 = tpu.assume_multiple %squeeze3A_183, 128 : i32
      %dma_start3A_185 = arith.constant 0 : i32
      %dma_start3A_186 = arith.constant 1664 : i32
      %dma_start3A_187 = tpu.memref_slice %arg9[%dma_start3A_185, %dma_start3A_186] : memref<32x2048xf32, #tpu.memory_space<vmem>> -> memref<32x128xf32, #tpu.memory_space<vmem>>
      %dma_start3A_188 = arith.constant 0 : i32
      %dma_start3A_189 = tpu.memref_slice %arg2[%dma_start3A_188, %multiple_of3A_184] : memref<32x1000000xf32, #tpu.memory_space<hbm>> -> memref<32x128xf32, #tpu.memory_space<hbm>>
      %dma_start3A_190 = arith.constant 0 : i32
      %dma_start3A_191 = arith.constant 1664 : i32
      %dma_start3A_192 = tpu.memref_slice %arg9[%dma_start3A_190, %dma_start3A_191] : memref<32x2048xf32, #tpu.memory_space<vmem>> -> memref<32x128xf32, #tpu.memory_space<vmem>>
      %dma_start3A_193 = arith.constant 0 : i32
      %dma_start3A_194 = tpu.memref_slice %arg2[%dma_start3A_193, %multiple_of3A_184] : memref<32x1000000xf32, #tpu.memory_space<hbm>> -> memref<32x128xf32, #tpu.memory_space<hbm>>
      tpu.enqueue_dma source(%dma_start3A_194 : memref<32x128xf32, #tpu.memory_space<hbm>>) target(%dma_start3A_192 : memref<32x128xf32, #tpu.memory_space<vmem>>) target_semaphore(%arg12 : memref<!tpu.dma_semaphore, #tpu.memory_space<semaphore_mem>>)
      %slice3A_195 = vector.extract_strided_slice %mul3A_16 {offsets = [14], sizes = [1], strides = [1]} : vector<16xi32> to vector<1xi32>
      %squeeze3A_196 = vector.extract %slice3A_195[0] : i32 from vector<1xi32>
      %multiple_of3A_197 = tpu.assume_multiple %squeeze3A_196, 128 : i32
      %dma_start3A_198 = arith.constant 0 : i32
      %dma_start3A_199 = arith.constant 1792 : i32
      %dma_start3A_200 = tpu.memref_slice %arg9[%dma_start3A_198, %dma_start3A_199] : memref<32x2048xf32, #tpu.memory_space<vmem>> -> memref<32x128xf32, #tpu.memory_space<vmem>>
      %dma_start3A_201 = arith.constant 0 : i32
      %dma_start3A_202 = tpu.memref_slice %arg2[%dma_start3A_201, %multiple_of3A_197] : memref<32x1000000xf32, #tpu.memory_space<hbm>> -> memref<32x128xf32, #tpu.memory_space<hbm>>
      %dma_start3A_203 = arith.constant 0 : i32
      %dma_start3A_204 = arith.constant 1792 : i32
      %dma_start3A_205 = tpu.memref_slice %arg9[%dma_start3A_203, %dma_start3A_204] : memref<32x2048xf32, #tpu.memory_space<vmem>> -> memref<32x128xf32, #tpu.memory_space<vmem>>
      %dma_start3A_206 = arith.constant 0 : i32
      %dma_start3A_207 = tpu.memref_slice %arg2[%dma_start3A_206, %multiple_of3A_197] : memref<32x1000000xf32, #tpu.memory_space<hbm>> -> memref<32x128xf32, #tpu.memory_space<hbm>>
      tpu.enqueue_dma source(%dma_start3A_207 : memref<32x128xf32, #tpu.memory_space<hbm>>) target(%dma_start3A_205 : memref<32x128xf32, #tpu.memory_space<vmem>>) target_semaphore(%arg12 : memref<!tpu.dma_semaphore, #tpu.memory_space<semaphore_mem>>)
      %slice3A_208 = vector.extract_strided_slice %mul3A_16 {offsets = [15], sizes = [1], strides = [1]} : vector<16xi32> to vector<1xi32>
      %squeeze3A_209 = vector.extract %slice3A_208[0] : i32 from vector<1xi32>
      %multiple_of3A_210 = tpu.assume_multiple %squeeze3A_209, 128 : i32
      %dma_start3A_211 = arith.constant 0 : i32
      %dma_start3A_212 = arith.constant 1920 : i32
      %dma_start3A_213 = tpu.memref_slice %arg9[%dma_start3A_211, %dma_start3A_212] : memref<32x2048xf32, #tpu.memory_space<vmem>> -> memref<32x128xf32, #tpu.memory_space<vmem>>
      %dma_start3A_214 = arith.constant 0 : i32
      %dma_start3A_215 = tpu.memref_slice %arg2[%dma_start3A_214, %multiple_of3A_210] : memref<32x1000000xf32, #tpu.memory_space<hbm>> -> memref<32x128xf32, #tpu.memory_space<hbm>>
      %dma_start3A_216 = arith.constant 0 : i32
      %dma_start3A_217 = arith.constant 1920 : i32
      %dma_start3A_218 = tpu.memref_slice %arg9[%dma_start3A_216, %dma_start3A_217] : memref<32x2048xf32, #tpu.memory_space<vmem>> -> memref<32x128xf32, #tpu.memory_space<vmem>>
      %dma_start3A_219 = arith.constant 0 : i32
      %dma_start3A_220 = tpu.memref_slice %arg2[%dma_start3A_219, %multiple_of3A_210] : memref<32x1000000xf32, #tpu.memory_space<hbm>> -> memref<32x128xf32, #tpu.memory_space<hbm>>
      tpu.enqueue_dma source(%dma_start3A_220 : memref<32x128xf32, #tpu.memory_space<hbm>>) target(%dma_start3A_218 : memref<32x128xf32, #tpu.memory_space<vmem>>) target_semaphore(%arg12 : memref<!tpu.dma_semaphore, #tpu.memory_space<semaphore_mem>>)
      %dma_wait3A = arith.constant 0 : i32
      %dma_wait3A_221 = arith.constant 0 : i32
      %dma_wait3A_222 = tpu.memref_slice %arg2[%dma_wait3A, %dma_wait3A_221] : memref<32x1000000xf32, #tpu.memory_space<hbm>> -> memref<32x2048xf32, #tpu.memory_space<hbm>>
      %dma_wait3A_223 = arith.constant 0 : i32
      %dma_wait3A_224 = arith.constant 0 : i32
      %dma_wait3A_225 = tpu.memref_slice %arg2[%dma_wait3A_223, %dma_wait3A_224] : memref<32x1000000xf32, #tpu.memory_space<hbm>> -> memref<32x2048xf32, #tpu.memory_space<hbm>>
      tpu.wait_dma2 semaphore(%arg12 : memref<!tpu.dma_semaphore, #tpu.memory_space<semaphore_mem>>) src(%dma_wait3A_225 : memref<32x2048xf32, #tpu.memory_space<hbm>>) dst(%arg9 : memref<32x2048xf32, #tpu.memory_space<vmem>>)
      %mul3A_226 = arith.constant 16 : i32
      %mul3A_227 = arith.muli %scan3A_8, %mul3A_226 : i32
      %add3A_228 = vector.broadcast %mul3A_227 : i32 to vector<16xi32>
      %add3A_229 = arith.addi %add3A_228, %iota3A : vector<16xi32>
      %gather3A = tpu.vector_load_idx %arg7[%add3A_229] : memref<512xi32, #tpu.memory_space<vmem>>[vector<16xi32>], vector<16xi32>,
      %mul3A_230 = arith.constant 128 : i32
      %mul3A_231 = vector.broadcast %mul3A_230 : i32 to vector<16xi32>
      %mul3A_232 = arith.muli %iota3A, %mul3A_231 : vector<16xi32>
      %and3A = arith.constant 127 : i32
      %and3A_233 = vector.broadcast %and3A : i32 to vector<16xi32>
      %and3A_234 = arith.andi %gather3A, %and3A_233 : vector<16xi32>
      %add3A_235 = arith.addi %mul3A_232, %and3A_234 : vector<16xi32>
      %broadcast_in_dim3A = arith.constant 0 : i32
      %broadcast_in_dim3A_236 = vector.broadcast %broadcast_in_dim3A : i32 to vector<16xi32>
      %gather3A_237 = tpu.vector_load_idx %arg9[%broadcast_in_dim3A_236, %add3A_235] : memref<32x2048xf32, #tpu.memory_space<vmem>>[vector<16xi32>, vector<16xi32>], vector<16xf32>,
      %swap3A = arith.constant 0 : i32
      %swap3A_238 = arith.index_cast %swap3A : i32 to index
      %swap3A_239 = arith.constant 0 : index
      %swap3A_240 = tpu.vector_load %arg10[%swap3A_238, %swap3A_239] {strides = array<i32>} : memref<32x16xf32, #tpu.memory_space<vmem>>, vector<16xf32>,
      tpu.vector_store %arg10[%swap3A_238, %swap3A_239], %gather3A_237 {strides = array<i32>} : memref<32x16xf32, #tpu.memory_space<vmem>>, vector<16xf32>,
      %broadcast_in_dim3A_241 = arith.constant 1 : i32
      %broadcast_in_dim3A_242 = vector.broadcast %broadcast_in_dim3A_241 : i32 to vector<16xi32>
      %gather3A_243 = tpu.vector_load_idx %arg9[%broadcast_in_dim3A_242, %add3A_235] : memref<32x2048xf32, #tpu.memory_space<vmem>>[vector<16xi32>, vector<16xi32>], vector<16xf32>,
      %swap3A_244 = arith.constant 1 : i32
      %swap3A_245 = arith.index_cast %swap3A_244 : i32 to index
      %swap3A_246 = arith.constant 0 : index
      %swap3A_247 = tpu.vector_load %arg10[%swap3A_245, %swap3A_246] {strides = array<i32>} : memref<32x16xf32, #tpu.memory_space<vmem>>, vector<16xf32>,
      tpu.vector_store %arg10[%swap3A_245, %swap3A_246], %gather3A_243 {strides = array<i32>} : memref<32x16xf32, #tpu.memory_space<vmem>>, vector<16xf32>,
      %broadcast_in_dim3A_248 = arith.constant 2 : i32
      %broadcast_in_dim3A_249 = vector.broadcast %broadcast_in_dim3A_248 : i32 to vector<16xi32>
      %gather3A_250 = tpu.vector_load_idx %arg9[%broadcast_in_dim3A_249, %add3A_235] : memref<32x2048xf32, #tpu.memory_space<vmem>>[vector<16xi32>, vector<16xi32>], vector<16xf32>,
      %swap3A_251 = arith.constant 2 : i32
      %swap3A_252 = arith.index_cast %swap3A_251 : i32 to index
      %swap3A_253 = arith.constant 0 : index
      %swap3A_254 = tpu.vector_load %arg10[%swap3A_252, %swap3A_253] {strides = array<i32>} : memref<32x16xf32, #tpu.memory_space<vmem>>, vector<16xf32>,
      tpu.vector_store %arg10[%swap3A_252, %swap3A_253], %gather3A_250 {strides = array<i32>} : memref<32x16xf32, #tpu.memory_space<vmem>>, vector<16xf32>,
      %broadcast_in_dim3A_255 = arith.constant 3 : i32
      %broadcast_in_dim3A_256 = vector.broadcast %broadcast_in_dim3A_255 : i32 to vector<16xi32>
      %gather3A_257 = tpu.vector_load_idx %arg9[%broadcast_in_dim3A_256, %add3A_235] : memref<32x2048xf32, #tpu.memory_space<vmem>>[vector<16xi32>, vector<16xi32>], vector<16xf32>,
      %swap3A_258 = arith.constant 3 : i32
      %swap3A_259 = arith.index_cast %swap3A_258 : i32 to index
      %swap3A_260 = arith.constant 0 : index
      %swap3A_261 = tpu.vector_load %arg10[%swap3A_259, %swap3A_260] {strides = array<i32>} : memref<32x16xf32, #tpu.memory_space<vmem>>, vector<16xf32>,
      tpu.vector_store %arg10[%swap3A_259, %swap3A_260], %gather3A_257 {strides = array<i32>} : memref<32x16xf32, #tpu.memory_space<vmem>>, vector<16xf32>,
      %broadcast_in_dim3A_262 = arith.constant 4 : i32
      %broadcast_in_dim3A_263 = vector.broadcast %broadcast_in_dim3A_262 : i32 to vector<16xi32>
      %gather3A_264 = tpu.vector_load_idx %arg9[%broadcast_in_dim3A_263, %add3A_235] : memref<32x2048xf32, #tpu.memory_space<vmem>>[vector<16xi32>, vector<16xi32>], vector<16xf32>,
      %swap3A_265 = arith.constant 4 : i32
      %swap3A_266 = arith.index_cast %swap3A_265 : i32 to index
      %swap3A_267 = arith.constant 0 : index
      %swap3A_268 = tpu.vector_load %arg10[%swap3A_266, %swap3A_267] {strides = array<i32>} : memref<32x16xf32, #tpu.memory_space<vmem>>, vector<16xf32>,
      tpu.vector_store %arg10[%swap3A_266, %swap3A_267], %gather3A_264 {strides = array<i32>} : memref<32x16xf32, #tpu.memory_space<vmem>>, vector<16xf32>,
      %broadcast_in_dim3A_269 = arith.constant 5 : i32
      %broadcast_in_dim3A_270 = vector.broadcast %broadcast_in_dim3A_269 : i32 to vector<16xi32>
      %gather3A_271 = tpu.vector_load_idx %arg9[%broadcast_in_dim3A_270, %add3A_235] : memref<32x2048xf32, #tpu.memory_space<vmem>>[vector<16xi32>, vector<16xi32>], vector<16xf32>,
      %swap3A_272 = arith.constant 5 : i32
      %swap3A_273 = arith.index_cast %swap3A_272 : i32 to index
      %swap3A_274 = arith.constant 0 : index
      %swap3A_275 = tpu.vector_load %arg10[%swap3A_273, %swap3A_274] {strides = array<i32>} : memref<32x16xf32, #tpu.memory_space<vmem>>, vector<16xf32>,
      tpu.vector_store %arg10[%swap3A_273, %swap3A_274], %gather3A_271 {strides = array<i32>} : memref<32x16xf32, #tpu.memory_space<vmem>>, vector<16xf32>,
      %broadcast_in_dim3A_276 = arith.constant 6 : i32
      %broadcast_in_dim3A_277 = vector.broadcast %broadcast_in_dim3A_276 : i32 to vector<16xi32>
      %gather3A_278 = tpu.vector_load_idx %arg9[%broadcast_in_dim3A_277, %add3A_235] : memref<32x2048xf32, #tpu.memory_space<vmem>>[vector<16xi32>, vector<16xi32>], vector<16xf32>,
      %swap3A_279 = arith.constant 6 : i32
      %swap3A_280 = arith.index_cast %swap3A_279 : i32 to index
      %swap3A_281 = arith.constant 0 : index
      %swap3A_282 = tpu.vector_load %arg10[%swap3A_280, %swap3A_281] {strides = array<i32>} : memref<32x16xf32, #tpu.memory_space<vmem>>, vector<16xf32>,
      tpu.vector_store %arg10[%swap3A_280, %swap3A_281], %gather3A_278 {strides = array<i32>} : memref<32x16xf32, #tpu.memory_space<vmem>>, vector<16xf32>,
      %broadcast_in_dim3A_283 = arith.constant 7 : i32
      %broadcast_in_dim3A_284 = vector.broadcast %broadcast_in_dim3A_283 : i32 to vector<16xi32>
      %gather3A_285 = tpu.vector_load_idx %arg9[%broadcast_in_dim3A_284, %add3A_235] : memref<32x2048xf32, #tpu.memory_space<vmem>>[vector<16xi32>, vector<16xi32>], vector<16xf32>,
      %swap3A_286 = arith.constant 7 : i32
      %swap3A_287 = arith.index_cast %swap3A_286 : i32 to index
      %swap3A_288 = arith.constant 0 : index
      %swap3A_289 = tpu.vector_load %arg10[%swap3A_287, %swap3A_288] {strides = array<i32>} : memref<32x16xf32, #tpu.memory_space<vmem>>, vector<16xf32>,
      tpu.vector_store %arg10[%swap3A_287, %swap3A_288], %gather3A_285 {strides = array<i32>} : memref<32x16xf32, #tpu.memory_space<vmem>>, vector<16xf32>,
      %broadcast_in_dim3A_290 = arith.constant 8 : i32
      %broadcast_in_dim3A_291 = vector.broadcast %broadcast_in_dim3A_290 : i32 to vector<16xi32>
      %gather3A_292 = tpu.vector_load_idx %arg9[%broadcast_in_dim3A_291, %add3A_235] : memref<32x2048xf32, #tpu.memory_space<vmem>>[vector<16xi32>, vector<16xi32>], vector<16xf32>,
      %swap3A_293 = arith.constant 8 : i32
      %swap3A_294 = arith.index_cast %swap3A_293 : i32 to index
      %swap3A_295 = arith.constant 0 : index
      %swap3A_296 = tpu.vector_load %arg10[%swap3A_294, %swap3A_295] {strides = array<i32>} : memref<32x16xf32, #tpu.memory_space<vmem>>, vector<16xf32>,
      tpu.vector_store %arg10[%swap3A_294, %swap3A_295], %gather3A_292 {strides = array<i32>} : memref<32x16xf32, #tpu.memory_space<vmem>>, vector<16xf32>,
      %broadcast_in_dim3A_297 = arith.constant 9 : i32
      %broadcast_in_dim3A_298 = vector.broadcast %broadcast_in_dim3A_297 : i32 to vector<16xi32>
      %gather3A_299 = tpu.vector_load_idx %arg9[%broadcast_in_dim3A_298, %add3A_235] : memref<32x2048xf32, #tpu.memory_space<vmem>>[vector<16xi32>, vector<16xi32>], vector<16xf32>,
      %swap3A_300 = arith.constant 9 : i32
      %swap3A_301 = arith.index_cast %swap3A_300 : i32 to index
      %swap3A_302 = arith.constant 0 : index
      %swap3A_303 = tpu.vector_load %arg10[%swap3A_301, %swap3A_302] {strides = array<i32>} : memref<32x16xf32, #tpu.memory_space<vmem>>, vector<16xf32>,
      tpu.vector_store %arg10[%swap3A_301, %swap3A_302], %gather3A_299 {strides = array<i32>} : memref<32x16xf32, #tpu.memory_space<vmem>>, vector<16xf32>,
      %broadcast_in_dim3A_304 = arith.constant 10 : i32
      %broadcast_in_dim3A_305 = vector.broadcast %broadcast_in_dim3A_304 : i32 to vector<16xi32>
      %gather3A_306 = tpu.vector_load_idx %arg9[%broadcast_in_dim3A_305, %add3A_235] : memref<32x2048xf32, #tpu.memory_space<vmem>>[vector<16xi32>, vector<16xi32>], vector<16xf32>,
      %swap3A_307 = arith.constant 10 : i32
      %swap3A_308 = arith.index_cast %swap3A_307 : i32 to index
      %swap3A_309 = arith.constant 0 : index
      %swap3A_310 = tpu.vector_load %arg10[%swap3A_308, %swap3A_309] {strides = array<i32>} : memref<32x16xf32, #tpu.memory_space<vmem>>, vector<16xf32>,
      tpu.vector_store %arg10[%swap3A_308, %swap3A_309], %gather3A_306 {strides = array<i32>} : memref<32x16xf32, #tpu.memory_space<vmem>>, vector<16xf32>,
      %broadcast_in_dim3A_311 = arith.constant 11 : i32
      %broadcast_in_dim3A_312 = vector.broadcast %broadcast_in_dim3A_311 : i32 to vector<16xi32>
      %gather3A_313 = tpu.vector_load_idx %arg9[%broadcast_in_dim3A_312, %add3A_235] : memref<32x2048xf32, #tpu.memory_space<vmem>>[vector<16xi32>, vector<16xi32>], vector<16xf32>,
      %swap3A_314 = arith.constant 11 : i32
      %swap3A_315 = arith.index_cast %swap3A_314 : i32 to index
      %swap3A_316 = arith.constant 0 : index
      %swap3A_317 = tpu.vector_load %arg10[%swap3A_315, %swap3A_316] {strides = array<i32>} : memref<32x16xf32, #tpu.memory_space<vmem>>, vector<16xf32>,
      tpu.vector_store %arg10[%swap3A_315, %swap3A_316], %gather3A_313 {strides = array<i32>} : memref<32x16xf32, #tpu.memory_space<vmem>>, vector<16xf32>,
      %broadcast_in_dim3A_318 = arith.constant 12 : i32
      %broadcast_in_dim3A_319 = vector.broadcast %broadcast_in_dim3A_318 : i32 to vector<16xi32>
      %gather3A_320 = tpu.vector_load_idx %arg9[%broadcast_in_dim3A_319, %add3A_235] : memref<32x2048xf32, #tpu.memory_space<vmem>>[vector<16xi32>, vector<16xi32>], vector<16xf32>,
      %swap3A_321 = arith.constant 12 : i32
      %swap3A_322 = arith.index_cast %swap3A_321 : i32 to index
      %swap3A_323 = arith.constant 0 : index
      %swap3A_324 = tpu.vector_load %arg10[%swap3A_322, %swap3A_323] {strides = array<i32>} : memref<32x16xf32, #tpu.memory_space<vmem>>, vector<16xf32>,
      tpu.vector_store %arg10[%swap3A_322, %swap3A_323], %gather3A_320 {strides = array<i32>} : memref<32x16xf32, #tpu.memory_space<vmem>>, vector<16xf32>,
      %broadcast_in_dim3A_325 = arith.constant 13 : i32
      %broadcast_in_dim3A_326 = vector.broadcast %broadcast_in_dim3A_325 : i32 to vector<16xi32>
      %gather3A_327 = tpu.vector_load_idx %arg9[%broadcast_in_dim3A_326, %add3A_235] : memref<32x2048xf32, #tpu.memory_space<vmem>>[vector<16xi32>, vector<16xi32>], vector<16xf32>,
      %swap3A_328 = arith.constant 13 : i32
      %swap3A_329 = arith.index_cast %swap3A_328 : i32 to index
      %swap3A_330 = arith.constant 0 : index
      %swap3A_331 = tpu.vector_load %arg10[%swap3A_329, %swap3A_330] {strides = array<i32>} : memref<32x16xf32, #tpu.memory_space<vmem>>, vector<16xf32>,
      tpu.vector_store %arg10[%swap3A_329, %swap3A_330], %gather3A_327 {strides = array<i32>} : memref<32x16xf32, #tpu.memory_space<vmem>>, vector<16xf32>,
      %broadcast_in_dim3A_332 = arith.constant 14 : i32
      %broadcast_in_dim3A_333 = vector.broadcast %broadcast_in_dim3A_332 : i32 to vector<16xi32>
      %gather3A_334 = tpu.vector_load_idx %arg9[%broadcast_in_dim3A_333, %add3A_235] : memref<32x2048xf32, #tpu.memory_space<vmem>>[vector<16xi32>, vector<16xi32>], vector<16xf32>,
      %swap3A_335 = arith.constant 14 : i32
      %swap3A_336 = arith.index_cast %swap3A_335 : i32 to index
      %swap3A_337 = arith.constant 0 : index
      %swap3A_338 = tpu.vector_load %arg10[%swap3A_336, %swap3A_337] {strides = array<i32>} : memref<32x16xf32, #tpu.memory_space<vmem>>, vector<16xf32>,
      tpu.vector_store %arg10[%swap3A_336, %swap3A_337], %gather3A_334 {strides = array<i32>} : memref<32x16xf32, #tpu.memory_space<vmem>>, vector<16xf32>,
      %broadcast_in_dim3A_339 = arith.constant 15 : i32
      %broadcast_in_dim3A_340 = vector.broadcast %broadcast_in_dim3A_339 : i32 to vector<16xi32>
      %gather3A_341 = tpu.vector_load_idx %arg9[%broadcast_in_dim3A_340, %add3A_235] : memref<32x2048xf32, #tpu.memory_space<vmem>>[vector<16xi32>, vector<16xi32>], vector<16xf32>,
      %swap3A_342 = arith.constant 15 : i32
      %swap3A_343 = arith.index_cast %swap3A_342 : i32 to index
      %swap3A_344 = arith.constant 0 : index
      %swap3A_345 = tpu.vector_load %arg10[%swap3A_343, %swap3A_344] {strides = array<i32>} : memref<32x16xf32, #tpu.memory_space<vmem>>, vector<16xf32>,
      tpu.vector_store %arg10[%swap3A_343, %swap3A_344], %gather3A_341 {strides = array<i32>} : memref<32x16xf32, #tpu.memory_space<vmem>>, vector<16xf32>,
      %broadcast_in_dim3A_346 = arith.constant 16 : i32
      %broadcast_in_dim3A_347 = vector.broadcast %broadcast_in_dim3A_346 : i32 to vector<16xi32>
      %gather3A_348 = tpu.vector_load_idx %arg9[%broadcast_in_dim3A_347, %add3A_235] : memref<32x2048xf32, #tpu.memory_space<vmem>>[vector<16xi32>, vector<16xi32>], vector<16xf32>,
      %swap3A_349 = arith.constant 16 : i32
      %swap3A_350 = arith.index_cast %swap3A_349 : i32 to index
      %swap3A_351 = arith.constant 0 : index
      %swap3A_352 = tpu.vector_load %arg10[%swap3A_350, %swap3A_351] {strides = array<i32>} : memref<32x16xf32, #tpu.memory_space<vmem>>, vector<16xf32>,
      tpu.vector_store %arg10[%swap3A_350, %swap3A_351], %gather3A_348 {strides = array<i32>} : memref<32x16xf32, #tpu.memory_space<vmem>>, vector<16xf32>,
      %broadcast_in_dim3A_353 = arith.constant 17 : i32
      %broadcast_in_dim3A_354 = vector.broadcast %broadcast_in_dim3A_353 : i32 to vector<16xi32>
      %gather3A_355 = tpu.vector_load_idx %arg9[%broadcast_in_dim3A_354, %add3A_235] : memref<32x2048xf32, #tpu.memory_space<vmem>>[vector<16xi32>, vector<16xi32>], vector<16xf32>,
      %swap3A_356 = arith.constant 17 : i32
      %swap3A_357 = arith.index_cast %swap3A_356 : i32 to index
      %swap3A_358 = arith.constant 0 : index
      %swap3A_359 = tpu.vector_load %arg10[%swap3A_357, %swap3A_358] {strides = array<i32>} : memref<32x16xf32, #tpu.memory_space<vmem>>, vector<16xf32>,
      tpu.vector_store %arg10[%swap3A_357, %swap3A_358], %gather3A_355 {strides = array<i32>} : memref<32x16xf32, #tpu.memory_space<vmem>>, vector<16xf32>,
      %broadcast_in_dim3A_360 = arith.constant 18 : i32
      %broadcast_in_dim3A_361 = vector.broadcast %broadcast_in_dim3A_360 : i32 to vector<16xi32>
      %gather3A_362 = tpu.vector_load_idx %arg9[%broadcast_in_dim3A_361, %add3A_235] : memref<32x2048xf32, #tpu.memory_space<vmem>>[vector<16xi32>, vector<16xi32>], vector<16xf32>,
      %swap3A_363 = arith.constant 18 : i32
      %swap3A_364 = arith.index_cast %swap3A_363 : i32 to index
      %swap3A_365 = arith.constant 0 : index
      %swap3A_366 = tpu.vector_load %arg10[%swap3A_364, %swap3A_365] {strides = array<i32>} : memref<32x16xf32, #tpu.memory_space<vmem>>, vector<16xf32>,
      tpu.vector_store %arg10[%swap3A_364, %swap3A_365], %gather3A_362 {strides = array<i32>} : memref<32x16xf32, #tpu.memory_space<vmem>>, vector<16xf32>,
      %broadcast_in_dim3A_367 = arith.constant 19 : i32
      %broadcast_in_dim3A_368 = vector.broadcast %broadcast_in_dim3A_367 : i32 to vector<16xi32>
      %gather3A_369 = tpu.vector_load_idx %arg9[%broadcast_in_dim3A_368, %add3A_235] : memref<32x2048xf32, #tpu.memory_space<vmem>>[vector<16xi32>, vector<16xi32>], vector<16xf32>,
      %swap3A_370 = arith.constant 19 : i32
      %swap3A_371 = arith.index_cast %swap3A_370 : i32 to index
      %swap3A_372 = arith.constant 0 : index
      %swap3A_373 = tpu.vector_load %arg10[%swap3A_371, %swap3A_372] {strides = array<i32>} : memref<32x16xf32, #tpu.memory_space<vmem>>, vector<16xf32>,
      tpu.vector_store %arg10[%swap3A_371, %swap3A_372], %gather3A_369 {strides = array<i32>} : memref<32x16xf32, #tpu.memory_space<vmem>>, vector<16xf32>,
      %broadcast_in_dim3A_374 = arith.constant 20 : i32
      %broadcast_in_dim3A_375 = vector.broadcast %broadcast_in_dim3A_374 : i32 to vector<16xi32>
      %gather3A_376 = tpu.vector_load_idx %arg9[%broadcast_in_dim3A_375, %add3A_235] : memref<32x2048xf32, #tpu.memory_space<vmem>>[vector<16xi32>, vector<16xi32>], vector<16xf32>,
      %swap3A_377 = arith.constant 20 : i32
      %swap3A_378 = arith.index_cast %swap3A_377 : i32 to index
      %swap3A_379 = arith.constant 0 : index
      %swap3A_380 = tpu.vector_load %arg10[%swap3A_378, %swap3A_379] {strides = array<i32>} : memref<32x16xf32, #tpu.memory_space<vmem>>, vector<16xf32>,
      tpu.vector_store %arg10[%swap3A_378, %swap3A_379], %gather3A_376 {strides = array<i32>} : memref<32x16xf32, #tpu.memory_space<vmem>>, vector<16xf32>,
      %broadcast_in_dim3A_381 = arith.constant 21 : i32
      %broadcast_in_dim3A_382 = vector.broadcast %broadcast_in_dim3A_381 : i32 to vector<16xi32>
      %gather3A_383 = tpu.vector_load_idx %arg9[%broadcast_in_dim3A_382, %add3A_235] : memref<32x2048xf32, #tpu.memory_space<vmem>>[vector<16xi32>, vector<16xi32>], vector<16xf32>,
      %swap3A_384 = arith.constant 21 : i32
      %swap3A_385 = arith.index_cast %swap3A_384 : i32 to index
      %swap3A_386 = arith.constant 0 : index
      %swap3A_387 = tpu.vector_load %arg10[%swap3A_385, %swap3A_386] {strides = array<i32>} : memref<32x16xf32, #tpu.memory_space<vmem>>, vector<16xf32>,
      tpu.vector_store %arg10[%swap3A_385, %swap3A_386], %gather3A_383 {strides = array<i32>} : memref<32x16xf32, #tpu.memory_space<vmem>>, vector<16xf32>,
      %broadcast_in_dim3A_388 = arith.constant 22 : i32
      %broadcast_in_dim3A_389 = vector.broadcast %broadcast_in_dim3A_388 : i32 to vector<16xi32>
      %gather3A_390 = tpu.vector_load_idx %arg9[%broadcast_in_dim3A_389, %add3A_235] : memref<32x2048xf32, #tpu.memory_space<vmem>>[vector<16xi32>, vector<16xi32>], vector<16xf32>,
      %swap3A_391 = arith.constant 22 : i32
      %swap3A_392 = arith.index_cast %swap3A_391 : i32 to index
      %swap3A_393 = arith.constant 0 : index
      %swap3A_394 = tpu.vector_load %arg10[%swap3A_392, %swap3A_393] {strides = array<i32>} : memref<32x16xf32, #tpu.memory_space<vmem>>, vector<16xf32>,
      tpu.vector_store %arg10[%swap3A_392, %swap3A_393], %gather3A_390 {strides = array<i32>} : memref<32x16xf32, #tpu.memory_space<vmem>>, vector<16xf32>,
      %broadcast_in_dim3A_395 = arith.constant 23 : i32
      %broadcast_in_dim3A_396 = vector.broadcast %broadcast_in_dim3A_395 : i32 to vector<16xi32>
      %gather3A_397 = tpu.vector_load_idx %arg9[%broadcast_in_dim3A_396, %add3A_235] : memref<32x2048xf32, #tpu.memory_space<vmem>>[vector<16xi32>, vector<16xi32>], vector<16xf32>,
      %swap3A_398 = arith.constant 23 : i32
      %swap3A_399 = arith.index_cast %swap3A_398 : i32 to index
      %swap3A_400 = arith.constant 0 : index
      %swap3A_401 = tpu.vector_load %arg10[%swap3A_399, %swap3A_400] {strides = array<i32>} : memref<32x16xf32, #tpu.memory_space<vmem>>, vector<16xf32>,
      tpu.vector_store %arg10[%swap3A_399, %swap3A_400], %gather3A_397 {strides = array<i32>} : memref<32x16xf32, #tpu.memory_space<vmem>>, vector<16xf32>,
      %broadcast_in_dim3A_402 = arith.constant 24 : i32
      %broadcast_in_dim3A_403 = vector.broadcast %broadcast_in_dim3A_402 : i32 to vector<16xi32>
      %gather3A_404 = tpu.vector_load_idx %arg9[%broadcast_in_dim3A_403, %add3A_235] : memref<32x2048xf32, #tpu.memory_space<vmem>>[vector<16xi32>, vector<16xi32>], vector<16xf32>,
      %swap3A_405 = arith.constant 24 : i32
      %swap3A_406 = arith.index_cast %swap3A_405 : i32 to index
      %swap3A_407 = arith.constant 0 : index
      %swap3A_408 = tpu.vector_load %arg10[%swap3A_406, %swap3A_407] {strides = array<i32>} : memref<32x16xf32, #tpu.memory_space<vmem>>, vector<16xf32>,
      tpu.vector_store %arg10[%swap3A_406, %swap3A_407], %gather3A_404 {strides = array<i32>} : memref<32x16xf32, #tpu.memory_space<vmem>>, vector<16xf32>,
      %broadcast_in_dim3A_409 = arith.constant 25 : i32
      %broadcast_in_dim3A_410 = vector.broadcast %broadcast_in_dim3A_409 : i32 to vector<16xi32>
      %gather3A_411 = tpu.vector_load_idx %arg9[%broadcast_in_dim3A_410, %add3A_235] : memref<32x2048xf32, #tpu.memory_space<vmem>>[vector<16xi32>, vector<16xi32>], vector<16xf32>,
      %swap3A_412 = arith.constant 25 : i32
      %swap3A_413 = arith.index_cast %swap3A_412 : i32 to index
      %swap3A_414 = arith.constant 0 : index
      %swap3A_415 = tpu.vector_load %arg10[%swap3A_413, %swap3A_414] {strides = array<i32>} : memref<32x16xf32, #tpu.memory_space<vmem>>, vector<16xf32>,
      tpu.vector_store %arg10[%swap3A_413, %swap3A_414], %gather3A_411 {strides = array<i32>} : memref<32x16xf32, #tpu.memory_space<vmem>>, vector<16xf32>,
      %broadcast_in_dim3A_416 = arith.constant 26 : i32
      %broadcast_in_dim3A_417 = vector.broadcast %broadcast_in_dim3A_416 : i32 to vector<16xi32>
      %gather3A_418 = tpu.vector_load_idx %arg9[%broadcast_in_dim3A_417, %add3A_235] : memref<32x2048xf32, #tpu.memory_space<vmem>>[vector<16xi32>, vector<16xi32>], vector<16xf32>,
      %swap3A_419 = arith.constant 26 : i32
      %swap3A_420 = arith.index_cast %swap3A_419 : i32 to index
      %swap3A_421 = arith.constant 0 : index
      %swap3A_422 = tpu.vector_load %arg10[%swap3A_420, %swap3A_421] {strides = array<i32>} : memref<32x16xf32, #tpu.memory_space<vmem>>, vector<16xf32>,
      tpu.vector_store %arg10[%swap3A_420, %swap3A_421], %gather3A_418 {strides = array<i32>} : memref<32x16xf32, #tpu.memory_space<vmem>>, vector<16xf32>,
      %broadcast_in_dim3A_423 = arith.constant 27 : i32
      %broadcast_in_dim3A_424 = vector.broadcast %broadcast_in_dim3A_423 : i32 to vector<16xi32>
      %gather3A_425 = tpu.vector_load_idx %arg9[%broadcast_in_dim3A_424, %add3A_235] : memref<32x2048xf32, #tpu.memory_space<vmem>>[vector<16xi32>, vector<16xi32>], vector<16xf32>,
      %swap3A_426 = arith.constant 27 : i32
      %swap3A_427 = arith.index_cast %swap3A_426 : i32 to index
      %swap3A_428 = arith.constant 0 : index
      %swap3A_429 = tpu.vector_load %arg10[%swap3A_427, %swap3A_428] {strides = array<i32>} : memref<32x16xf32, #tpu.memory_space<vmem>>, vector<16xf32>,
      tpu.vector_store %arg10[%swap3A_427, %swap3A_428], %gather3A_425 {strides = array<i32>} : memref<32x16xf32, #tpu.memory_space<vmem>>, vector<16xf32>,
      %broadcast_in_dim3A_430 = arith.constant 28 : i32
      %broadcast_in_dim3A_431 = vector.broadcast %broadcast_in_dim3A_430 : i32 to vector<16xi32>
      %gather3A_432 = tpu.vector_load_idx %arg9[%broadcast_in_dim3A_431, %add3A_235] : memref<32x2048xf32, #tpu.memory_space<vmem>>[vector<16xi32>, vector<16xi32>], vector<16xf32>,
      %swap3A_433 = arith.constant 28 : i32
      %swap3A_434 = arith.index_cast %swap3A_433 : i32 to index
      %swap3A_435 = arith.constant 0 : index
      %swap3A_436 = tpu.vector_load %arg10[%swap3A_434, %swap3A_435] {strides = array<i32>} : memref<32x16xf32, #tpu.memory_space<vmem>>, vector<16xf32>,
      tpu.vector_store %arg10[%swap3A_434, %swap3A_435], %gather3A_432 {strides = array<i32>} : memref<32x16xf32, #tpu.memory_space<vmem>>, vector<16xf32>,
      %broadcast_in_dim3A_437 = arith.constant 29 : i32
      %broadcast_in_dim3A_438 = vector.broadcast %broadcast_in_dim3A_437 : i32 to vector<16xi32>
      %gather3A_439 = tpu.vector_load_idx %arg9[%broadcast_in_dim3A_438, %add3A_235] : memref<32x2048xf32, #tpu.memory_space<vmem>>[vector<16xi32>, vector<16xi32>], vector<16xf32>,
      %swap3A_440 = arith.constant 29 : i32
      %swap3A_441 = arith.index_cast %swap3A_440 : i32 to index
      %swap3A_442 = arith.constant 0 : index
      %swap3A_443 = tpu.vector_load %arg10[%swap3A_441, %swap3A_442] {strides = array<i32>} : memref<32x16xf32, #tpu.memory_space<vmem>>, vector<16xf32>,
      tpu.vector_store %arg10[%swap3A_441, %swap3A_442], %gather3A_439 {strides = array<i32>} : memref<32x16xf32, #tpu.memory_space<vmem>>, vector<16xf32>,
      %broadcast_in_dim3A_444 = arith.constant 30 : i32
      %broadcast_in_dim3A_445 = vector.broadcast %broadcast_in_dim3A_444 : i32 to vector<16xi32>
      %gather3A_446 = tpu.vector_load_idx %arg9[%broadcast_in_dim3A_445, %add3A_235] : memref<32x2048xf32, #tpu.memory_space<vmem>>[vector<16xi32>, vector<16xi32>], vector<16xf32>,
      %swap3A_447 = arith.constant 30 : i32
      %swap3A_448 = arith.index_cast %swap3A_447 : i32 to index
      %swap3A_449 = arith.constant 0 : index
      %swap3A_450 = tpu.vector_load %arg10[%swap3A_448, %swap3A_449] {strides = array<i32>} : memref<32x16xf32, #tpu.memory_space<vmem>>, vector<16xf32>,
      tpu.vector_store %arg10[%swap3A_448, %swap3A_449], %gather3A_446 {strides = array<i32>} : memref<32x16xf32, #tpu.memory_space<vmem>>, vector<16xf32>,
      %broadcast_in_dim3A_451 = arith.constant 31 : i32
      %broadcast_in_dim3A_452 = vector.broadcast %broadcast_in_dim3A_451 : i32 to vector<16xi32>
      %gather3A_453 = tpu.vector_load_idx %arg9[%broadcast_in_dim3A_452, %add3A_235] : memref<32x2048xf32, #tpu.memory_space<vmem>>[vector<16xi32>, vector<16xi32>], vector<16xf32>,
      %swap3A_454 = arith.constant 31 : i32
      %swap3A_455 = arith.index_cast %swap3A_454 : i32 to index
      %swap3A_456 = arith.constant 0 : index
      %swap3A_457 = tpu.vector_load %arg10[%swap3A_455, %swap3A_456] {strides = array<i32>} : memref<32x16xf32, #tpu.memory_space<vmem>>, vector<16xf32>,
      tpu.vector_store %arg10[%swap3A_455, %swap3A_456], %gather3A_453 {strides = array<i32>} : memref<32x16xf32, #tpu.memory_space<vmem>>, vector<16xf32>,
      %mul3A_458 = arith.constant 16 : i32
      %mul3A_459 = arith.muli %scan3A_8, %mul3A_458 : i32
      %get3A_460 = arith.index_cast %mul3A_459 : i32 to index
      %get3A_461 = tpu.vector_load %arg8[%get3A_460] {strides = array<i32>} : memref<512xi32, #tpu.memory_space<vmem>>, vector<16xi32>,
      %shift_right_arithmetic3A_462 = arith.constant 7 : i32
      %shift_right_arithmetic3A_463 = vector.broadcast %shift_right_arithmetic3A_462 : i32 to vector<16xi32>
      %shift_right_arithmetic3A_464 = arith.shrsi %get3A_461, %shift_right_arithmetic3A_463 : vector<16xi32>
      %mul3A_465 = arith.constant 128 : i32
      %mul3A_466 = vector.broadcast %mul3A_465 : i32 to vector<16xi32>
      %mul3A_467 = arith.muli %shift_right_arithmetic3A_464, %mul3A_466 : vector<16xi32>
      %slice3A_468 = vector.extract_strided_slice %mul3A_467 {offsets = [0], sizes = [1], strides = [1]} : vector<16xi32> to vector<1xi32>
      %squeeze3A_469 = vector.extract %slice3A_468[0] : i32 from vector<1xi32>
      %multiple_of3A_470 = tpu.assume_multiple %squeeze3A_469, 128 : i32
      %dma_start3A_471 = arith.constant 0 : i32
      %dma_start3A_472 = arith.constant 0 : i32
      %dma_start3A_473 = tpu.memref_slice %arg9[%dma_start3A_471, %dma_start3A_472] : memref<32x2048xf32, #tpu.memory_space<vmem>> -> memref<32x128xf32, #tpu.memory_space<vmem>>
      %dma_start3A_474 = arith.constant 0 : i32
      %dma_start3A_475 = tpu.memref_slice %arg3[%dma_start3A_474, %multiple_of3A_470] : memref<32x1000000xf32, #tpu.memory_space<hbm>> -> memref<32x128xf32, #tpu.memory_space<hbm>>
      %dma_start3A_476 = arith.constant 0 : i32
      %dma_start3A_477 = arith.constant 0 : i32
      %dma_start3A_478 = tpu.memref_slice %arg9[%dma_start3A_476, %dma_start3A_477] : memref<32x2048xf32, #tpu.memory_space<vmem>> -> memref<32x128xf32, #tpu.memory_space<vmem>>
      %dma_start3A_479 = arith.constant 0 : i32
      %dma_start3A_480 = tpu.memref_slice %arg3[%dma_start3A_479, %multiple_of3A_470] : memref<32x1000000xf32, #tpu.memory_space<hbm>> -> memref<32x128xf32, #tpu.memory_space<hbm>>
      tpu.enqueue_dma source(%dma_start3A_480 : memref<32x128xf32, #tpu.memory_space<hbm>>) target(%dma_start3A_478 : memref<32x128xf32, #tpu.memory_space<vmem>>) target_semaphore(%arg12 : memref<!tpu.dma_semaphore, #tpu.memory_space<semaphore_mem>>)
      %slice3A_481 = vector.extract_strided_slice %mul3A_467 {offsets = [1], sizes = [1], strides = [1]} : vector<16xi32> to vector<1xi32>
      %squeeze3A_482 = vector.extract %slice3A_481[0] : i32 from vector<1xi32>
      %multiple_of3A_483 = tpu.assume_multiple %squeeze3A_482, 128 : i32
      %dma_start3A_484 = arith.constant 0 : i32
      %dma_start3A_485 = arith.constant 128 : i32
      %dma_start3A_486 = tpu.memref_slice %arg9[%dma_start3A_484, %dma_start3A_485] : memref<32x2048xf32, #tpu.memory_space<vmem>> -> memref<32x128xf32, #tpu.memory_space<vmem>>
      %dma_start3A_487 = arith.constant 0 : i32
      %dma_start3A_488 = tpu.memref_slice %arg3[%dma_start3A_487, %multiple_of3A_483] : memref<32x1000000xf32, #tpu.memory_space<hbm>> -> memref<32x128xf32, #tpu.memory_space<hbm>>
      %dma_start3A_489 = arith.constant 0 : i32
      %dma_start3A_490 = arith.constant 128 : i32
      %dma_start3A_491 = tpu.memref_slice %arg9[%dma_start3A_489, %dma_start3A_490] : memref<32x2048xf32, #tpu.memory_space<vmem>> -> memref<32x128xf32, #tpu.memory_space<vmem>>
      %dma_start3A_492 = arith.constant 0 : i32
      %dma_start3A_493 = tpu.memref_slice %arg3[%dma_start3A_492, %multiple_of3A_483] : memref<32x1000000xf32, #tpu.memory_space<hbm>> -> memref<32x128xf32, #tpu.memory_space<hbm>>
      tpu.enqueue_dma source(%dma_start3A_493 : memref<32x128xf32, #tpu.memory_space<hbm>>) target(%dma_start3A_491 : memref<32x128xf32, #tpu.memory_space<vmem>>) target_semaphore(%arg12 : memref<!tpu.dma_semaphore, #tpu.memory_space<semaphore_mem>>)
      %slice3A_494 = vector.extract_strided_slice %mul3A_467 {offsets = [2], sizes = [1], strides = [1]} : vector<16xi32> to vector<1xi32>
      %squeeze3A_495 = vector.extract %slice3A_494[0] : i32 from vector<1xi32>
      %multiple_of3A_496 = tpu.assume_multiple %squeeze3A_495, 128 : i32
      %dma_start3A_497 = arith.constant 0 : i32
      %dma_start3A_498 = arith.constant 256 : i32
      %dma_start3A_499 = tpu.memref_slice %arg9[%dma_start3A_497, %dma_start3A_498] : memref<32x2048xf32, #tpu.memory_space<vmem>> -> memref<32x128xf32, #tpu.memory_space<vmem>>
      %dma_start3A_500 = arith.constant 0 : i32
      %dma_start3A_501 = tpu.memref_slice %arg3[%dma_start3A_500, %multiple_of3A_496] : memref<32x1000000xf32, #tpu.memory_space<hbm>> -> memref<32x128xf32, #tpu.memory_space<hbm>>
      %dma_start3A_502 = arith.constant 0 : i32
      %dma_start3A_503 = arith.constant 256 : i32
      %dma_start3A_504 = tpu.memref_slice %arg9[%dma_start3A_502, %dma_start3A_503] : memref<32x2048xf32, #tpu.memory_space<vmem>> -> memref<32x128xf32, #tpu.memory_space<vmem>>
      %dma_start3A_505 = arith.constant 0 : i32
      %dma_start3A_506 = tpu.memref_slice %arg3[%dma_start3A_505, %multiple_of3A_496] : memref<32x1000000xf32, #tpu.memory_space<hbm>> -> memref<32x128xf32, #tpu.memory_space<hbm>>
      tpu.enqueue_dma source(%dma_start3A_506 : memref<32x128xf32, #tpu.memory_space<hbm>>) target(%dma_start3A_504 : memref<32x128xf32, #tpu.memory_space<vmem>>) target_semaphore(%arg12 : memref<!tpu.dma_semaphore, #tpu.memory_space<semaphore_mem>>)
      %slice3A_507 = vector.extract_strided_slice %mul3A_467 {offsets = [3], sizes = [1], strides = [1]} : vector<16xi32> to vector<1xi32>
      %squeeze3A_508 = vector.extract %slice3A_507[0] : i32 from vector<1xi32>
      %multiple_of3A_509 = tpu.assume_multiple %squeeze3A_508, 128 : i32
      %dma_start3A_510 = arith.constant 0 : i32
      %dma_start3A_511 = arith.constant 384 : i32
      %dma_start3A_512 = tpu.memref_slice %arg9[%dma_start3A_510, %dma_start3A_511] : memref<32x2048xf32, #tpu.memory_space<vmem>> -> memref<32x128xf32, #tpu.memory_space<vmem>>
      %dma_start3A_513 = arith.constant 0 : i32
      %dma_start3A_514 = tpu.memref_slice %arg3[%dma_start3A_513, %multiple_of3A_509] : memref<32x1000000xf32, #tpu.memory_space<hbm>> -> memref<32x128xf32, #tpu.memory_space<hbm>>
      %dma_start3A_515 = arith.constant 0 : i32
      %dma_start3A_516 = arith.constant 384 : i32
      %dma_start3A_517 = tpu.memref_slice %arg9[%dma_start3A_515, %dma_start3A_516] : memref<32x2048xf32, #tpu.memory_space<vmem>> -> memref<32x128xf32, #tpu.memory_space<vmem>>
      %dma_start3A_518 = arith.constant 0 : i32
      %dma_start3A_519 = tpu.memref_slice %arg3[%dma_start3A_518, %multiple_of3A_509] : memref<32x1000000xf32, #tpu.memory_space<hbm>> -> memref<32x128xf32, #tpu.memory_space<hbm>>
      tpu.enqueue_dma source(%dma_start3A_519 : memref<32x128xf32, #tpu.memory_space<hbm>>) target(%dma_start3A_517 : memref<32x128xf32, #tpu.memory_space<vmem>>) target_semaphore(%arg12 : memref<!tpu.dma_semaphore, #tpu.memory_space<semaphore_mem>>)
      %slice3A_520 = vector.extract_strided_slice %mul3A_467 {offsets = [4], sizes = [1], strides = [1]} : vector<16xi32> to vector<1xi32>
      %squeeze3A_521 = vector.extract %slice3A_520[0] : i32 from vector<1xi32>
      %multiple_of3A_522 = tpu.assume_multiple %squeeze3A_521, 128 : i32
      %dma_start3A_523 = arith.constant 0 : i32
      %dma_start3A_524 = arith.constant 512 : i32
      %dma_start3A_525 = tpu.memref_slice %arg9[%dma_start3A_523, %dma_start3A_524] : memref<32x2048xf32, #tpu.memory_space<vmem>> -> memref<32x128xf32, #tpu.memory_space<vmem>>
      %dma_start3A_526 = arith.constant 0 : i32
      %dma_start3A_527 = tpu.memref_slice %arg3[%dma_start3A_526, %multiple_of3A_522] : memref<32x1000000xf32, #tpu.memory_space<hbm>> -> memref<32x128xf32, #tpu.memory_space<hbm>>
      %dma_start3A_528 = arith.constant 0 : i32
      %dma_start3A_529 = arith.constant 512 : i32
      %dma_start3A_530 = tpu.memref_slice %arg9[%dma_start3A_528, %dma_start3A_529] : memref<32x2048xf32, #tpu.memory_space<vmem>> -> memref<32x128xf32, #tpu.memory_space<vmem>>
      %dma_start3A_531 = arith.constant 0 : i32
      %dma_start3A_532 = tpu.memref_slice %arg3[%dma_start3A_531, %multiple_of3A_522] : memref<32x1000000xf32, #tpu.memory_space<hbm>> -> memref<32x128xf32, #tpu.memory_space<hbm>>
      tpu.enqueue_dma source(%dma_start3A_532 : memref<32x128xf32, #tpu.memory_space<hbm>>) target(%dma_start3A_530 : memref<32x128xf32, #tpu.memory_space<vmem>>) target_semaphore(%arg12 : memref<!tpu.dma_semaphore, #tpu.memory_space<semaphore_mem>>)
      %slice3A_533 = vector.extract_strided_slice %mul3A_467 {offsets = [5], sizes = [1], strides = [1]} : vector<16xi32> to vector<1xi32>
      %squeeze3A_534 = vector.extract %slice3A_533[0] : i32 from vector<1xi32>
      %multiple_of3A_535 = tpu.assume_multiple %squeeze3A_534, 128 : i32
      %dma_start3A_536 = arith.constant 0 : i32
      %dma_start3A_537 = arith.constant 640 : i32
      %dma_start3A_538 = tpu.memref_slice %arg9[%dma_start3A_536, %dma_start3A_537] : memref<32x2048xf32, #tpu.memory_space<vmem>> -> memref<32x128xf32, #tpu.memory_space<vmem>>
      %dma_start3A_539 = arith.constant 0 : i32
      %dma_start3A_540 = tpu.memref_slice %arg3[%dma_start3A_539, %multiple_of3A_535] : memref<32x1000000xf32, #tpu.memory_space<hbm>> -> memref<32x128xf32, #tpu.memory_space<hbm>>
      %dma_start3A_541 = arith.constant 0 : i32
      %dma_start3A_542 = arith.constant 640 : i32
      %dma_start3A_543 = tpu.memref_slice %arg9[%dma_start3A_541, %dma_start3A_542] : memref<32x2048xf32, #tpu.memory_space<vmem>> -> memref<32x128xf32, #tpu.memory_space<vmem>>
      %dma_start3A_544 = arith.constant 0 : i32
      %dma_start3A_545 = tpu.memref_slice %arg3[%dma_start3A_544, %multiple_of3A_535] : memref<32x1000000xf32, #tpu.memory_space<hbm>> -> memref<32x128xf32, #tpu.memory_space<hbm>>
      tpu.enqueue_dma source(%dma_start3A_545 : memref<32x128xf32, #tpu.memory_space<hbm>>) target(%dma_start3A_543 : memref<32x128xf32, #tpu.memory_space<vmem>>) target_semaphore(%arg12 : memref<!tpu.dma_semaphore, #tpu.memory_space<semaphore_mem>>)
      %slice3A_546 = vector.extract_strided_slice %mul3A_467 {offsets = [6], sizes = [1], strides = [1]} : vector<16xi32> to vector<1xi32>
      %squeeze3A_547 = vector.extract %slice3A_546[0] : i32 from vector<1xi32>
      %multiple_of3A_548 = tpu.assume_multiple %squeeze3A_547, 128 : i32
      %dma_start3A_549 = arith.constant 0 : i32
      %dma_start3A_550 = arith.constant 768 : i32
      %dma_start3A_551 = tpu.memref_slice %arg9[%dma_start3A_549, %dma_start3A_550] : memref<32x2048xf32, #tpu.memory_space<vmem>> -> memref<32x128xf32, #tpu.memory_space<vmem>>
      %dma_start3A_552 = arith.constant 0 : i32
      %dma_start3A_553 = tpu.memref_slice %arg3[%dma_start3A_552, %multiple_of3A_548] : memref<32x1000000xf32, #tpu.memory_space<hbm>> -> memref<32x128xf32, #tpu.memory_space<hbm>>
      %dma_start3A_554 = arith.constant 0 : i32
      %dma_start3A_555 = arith.constant 768 : i32
      %dma_start3A_556 = tpu.memref_slice %arg9[%dma_start3A_554, %dma_start3A_555] : memref<32x2048xf32, #tpu.memory_space<vmem>> -> memref<32x128xf32, #tpu.memory_space<vmem>>
      %dma_start3A_557 = arith.constant 0 : i32
      %dma_start3A_558 = tpu.memref_slice %arg3[%dma_start3A_557, %multiple_of3A_548] : memref<32x1000000xf32, #tpu.memory_space<hbm>> -> memref<32x128xf32, #tpu.memory_space<hbm>>
      tpu.enqueue_dma source(%dma_start3A_558 : memref<32x128xf32, #tpu.memory_space<hbm>>) target(%dma_start3A_556 : memref<32x128xf32, #tpu.memory_space<vmem>>) target_semaphore(%arg12 : memref<!tpu.dma_semaphore, #tpu.memory_space<semaphore_mem>>)
      %slice3A_559 = vector.extract_strided_slice %mul3A_467 {offsets = [7], sizes = [1], strides = [1]} : vector<16xi32> to vector<1xi32>
      %squeeze3A_560 = vector.extract %slice3A_559[0] : i32 from vector<1xi32>
      %multiple_of3A_561 = tpu.assume_multiple %squeeze3A_560, 128 : i32
      %dma_start3A_562 = arith.constant 0 : i32
      %dma_start3A_563 = arith.constant 896 : i32
      %dma_start3A_564 = tpu.memref_slice %arg9[%dma_start3A_562, %dma_start3A_563] : memref<32x2048xf32, #tpu.memory_space<vmem>> -> memref<32x128xf32, #tpu.memory_space<vmem>>
      %dma_start3A_565 = arith.constant 0 : i32
      %dma_start3A_566 = tpu.memref_slice %arg3[%dma_start3A_565, %multiple_of3A_561] : memref<32x1000000xf32, #tpu.memory_space<hbm>> -> memref<32x128xf32, #tpu.memory_space<hbm>>
      %dma_start3A_567 = arith.constant 0 : i32
      %dma_start3A_568 = arith.constant 896 : i32
      %dma_start3A_569 = tpu.memref_slice %arg9[%dma_start3A_567, %dma_start3A_568] : memref<32x2048xf32, #tpu.memory_space<vmem>> -> memref<32x128xf32, #tpu.memory_space<vmem>>
      %dma_start3A_570 = arith.constant 0 : i32
      %dma_start3A_571 = tpu.memref_slice %arg3[%dma_start3A_570, %multiple_of3A_561] : memref<32x1000000xf32, #tpu.memory_space<hbm>> -> memref<32x128xf32, #tpu.memory_space<hbm>>
      tpu.enqueue_dma source(%dma_start3A_571 : memref<32x128xf32, #tpu.memory_space<hbm>>) target(%dma_start3A_569 : memref<32x128xf32, #tpu.memory_space<vmem>>) target_semaphore(%arg12 : memref<!tpu.dma_semaphore, #tpu.memory_space<semaphore_mem>>)
      %slice3A_572 = vector.extract_strided_slice %mul3A_467 {offsets = [8], sizes = [1], strides = [1]} : vector<16xi32> to vector<1xi32>
      %squeeze3A_573 = vector.extract %slice3A_572[0] : i32 from vector<1xi32>
      %multiple_of3A_574 = tpu.assume_multiple %squeeze3A_573, 128 : i32
      %dma_start3A_575 = arith.constant 0 : i32
      %dma_start3A_576 = arith.constant 1024 : i32
      %dma_start3A_577 = tpu.memref_slice %arg9[%dma_start3A_575, %dma_start3A_576] : memref<32x2048xf32, #tpu.memory_space<vmem>> -> memref<32x128xf32, #tpu.memory_space<vmem>>
      %dma_start3A_578 = arith.constant 0 : i32
      %dma_start3A_579 = tpu.memref_slice %arg3[%dma_start3A_578, %multiple_of3A_574] : memref<32x1000000xf32, #tpu.memory_space<hbm>> -> memref<32x128xf32, #tpu.memory_space<hbm>>
      %dma_start3A_580 = arith.constant 0 : i32
      %dma_start3A_581 = arith.constant 1024 : i32
      %dma_start3A_582 = tpu.memref_slice %arg9[%dma_start3A_580, %dma_start3A_581] : memref<32x2048xf32, #tpu.memory_space<vmem>> -> memref<32x128xf32, #tpu.memory_space<vmem>>
      %dma_start3A_583 = arith.constant 0 : i32
      %dma_start3A_584 = tpu.memref_slice %arg3[%dma_start3A_583, %multiple_of3A_574] : memref<32x1000000xf32, #tpu.memory_space<hbm>> -> memref<32x128xf32, #tpu.memory_space<hbm>>
      tpu.enqueue_dma source(%dma_start3A_584 : memref<32x128xf32, #tpu.memory_space<hbm>>) target(%dma_start3A_582 : memref<32x128xf32, #tpu.memory_space<vmem>>) target_semaphore(%arg12 : memref<!tpu.dma_semaphore, #tpu.memory_space<semaphore_mem>>)
      %slice3A_585 = vector.extract_strided_slice %mul3A_467 {offsets = [9], sizes = [1], strides = [1]} : vector<16xi32> to vector<1xi32>
      %squeeze3A_586 = vector.extract %slice3A_585[0] : i32 from vector<1xi32>
      %multiple_of3A_587 = tpu.assume_multiple %squeeze3A_586, 128 : i32
      %dma_start3A_588 = arith.constant 0 : i32
      %dma_start3A_589 = arith.constant 1152 : i32
      %dma_start3A_590 = tpu.memref_slice %arg9[%dma_start3A_588, %dma_start3A_589] : memref<32x2048xf32, #tpu.memory_space<vmem>> -> memref<32x128xf32, #tpu.memory_space<vmem>>
      %dma_start3A_591 = arith.constant 0 : i32
      %dma_start3A_592 = tpu.memref_slice %arg3[%dma_start3A_591, %multiple_of3A_587] : memref<32x1000000xf32, #tpu.memory_space<hbm>> -> memref<32x128xf32, #tpu.memory_space<hbm>>
      %dma_start3A_593 = arith.constant 0 : i32
      %dma_start3A_594 = arith.constant 1152 : i32
      %dma_start3A_595 = tpu.memref_slice %arg9[%dma_start3A_593, %dma_start3A_594] : memref<32x2048xf32, #tpu.memory_space<vmem>> -> memref<32x128xf32, #tpu.memory_space<vmem>>
      %dma_start3A_596 = arith.constant 0 : i32
      %dma_start3A_597 = tpu.memref_slice %arg3[%dma_start3A_596, %multiple_of3A_587] : memref<32x1000000xf32, #tpu.memory_space<hbm>> -> memref<32x128xf32, #tpu.memory_space<hbm>>
      tpu.enqueue_dma source(%dma_start3A_597 : memref<32x128xf32, #tpu.memory_space<hbm>>) target(%dma_start3A_595 : memref<32x128xf32, #tpu.memory_space<vmem>>) target_semaphore(%arg12 : memref<!tpu.dma_semaphore, #tpu.memory_space<semaphore_mem>>)
      %slice3A_598 = vector.extract_strided_slice %mul3A_467 {offsets = [10], sizes = [1], strides = [1]} : vector<16xi32> to vector<1xi32>
      %squeeze3A_599 = vector.extract %slice3A_598[0] : i32 from vector<1xi32>
      %multiple_of3A_600 = tpu.assume_multiple %squeeze3A_599, 128 : i32
      %dma_start3A_601 = arith.constant 0 : i32
      %dma_start3A_602 = arith.constant 1280 : i32
      %dma_start3A_603 = tpu.memref_slice %arg9[%dma_start3A_601, %dma_start3A_602] : memref<32x2048xf32, #tpu.memory_space<vmem>> -> memref<32x128xf32, #tpu.memory_space<vmem>>
      %dma_start3A_604 = arith.constant 0 : i32
      %dma_start3A_605 = tpu.memref_slice %arg3[%dma_start3A_604, %multiple_of3A_600] : memref<32x1000000xf32, #tpu.memory_space<hbm>> -> memref<32x128xf32, #tpu.memory_space<hbm>>
      %dma_start3A_606 = arith.constant 0 : i32
      %dma_start3A_607 = arith.constant 1280 : i32
      %dma_start3A_608 = tpu.memref_slice %arg9[%dma_start3A_606, %dma_start3A_607] : memref<32x2048xf32, #tpu.memory_space<vmem>> -> memref<32x128xf32, #tpu.memory_space<vmem>>
      %dma_start3A_609 = arith.constant 0 : i32
      %dma_start3A_610 = tpu.memref_slice %arg3[%dma_start3A_609, %multiple_of3A_600] : memref<32x1000000xf32, #tpu.memory_space<hbm>> -> memref<32x128xf32, #tpu.memory_space<hbm>>
      tpu.enqueue_dma source(%dma_start3A_610 : memref<32x128xf32, #tpu.memory_space<hbm>>) target(%dma_start3A_608 : memref<32x128xf32, #tpu.memory_space<vmem>>) target_semaphore(%arg12 : memref<!tpu.dma_semaphore, #tpu.memory_space<semaphore_mem>>)
      %slice3A_611 = vector.extract_strided_slice %mul3A_467 {offsets = [11], sizes = [1], strides = [1]} : vector<16xi32> to vector<1xi32>
      %squeeze3A_612 = vector.extract %slice3A_611[0] : i32 from vector<1xi32>
      %multiple_of3A_613 = tpu.assume_multiple %squeeze3A_612, 128 : i32
      %dma_start3A_614 = arith.constant 0 : i32
      %dma_start3A_615 = arith.constant 1408 : i32
      %dma_start3A_616 = tpu.memref_slice %arg9[%dma_start3A_614, %dma_start3A_615] : memref<32x2048xf32, #tpu.memory_space<vmem>> -> memref<32x128xf32, #tpu.memory_space<vmem>>
      %dma_start3A_617 = arith.constant 0 : i32
      %dma_start3A_618 = tpu.memref_slice %arg3[%dma_start3A_617, %multiple_of3A_613] : memref<32x1000000xf32, #tpu.memory_space<hbm>> -> memref<32x128xf32, #tpu.memory_space<hbm>>
      %dma_start3A_619 = arith.constant 0 : i32
      %dma_start3A_620 = arith.constant 1408 : i32
      %dma_start3A_621 = tpu.memref_slice %arg9[%dma_start3A_619, %dma_start3A_620] : memref<32x2048xf32, #tpu.memory_space<vmem>> -> memref<32x128xf32, #tpu.memory_space<vmem>>
      %dma_start3A_622 = arith.constant 0 : i32
      %dma_start3A_623 = tpu.memref_slice %arg3[%dma_start3A_622, %multiple_of3A_613] : memref<32x1000000xf32, #tpu.memory_space<hbm>> -> memref<32x128xf32, #tpu.memory_space<hbm>>
      tpu.enqueue_dma source(%dma_start3A_623 : memref<32x128xf32, #tpu.memory_space<hbm>>) target(%dma_start3A_621 : memref<32x128xf32, #tpu.memory_space<vmem>>) target_semaphore(%arg12 : memref<!tpu.dma_semaphore, #tpu.memory_space<semaphore_mem>>)
      %slice3A_624 = vector.extract_strided_slice %mul3A_467 {offsets = [12], sizes = [1], strides = [1]} : vector<16xi32> to vector<1xi32>
      %squeeze3A_625 = vector.extract %slice3A_624[0] : i32 from vector<1xi32>
      %multiple_of3A_626 = tpu.assume_multiple %squeeze3A_625, 128 : i32
      %dma_start3A_627 = arith.constant 0 : i32
      %dma_start3A_628 = arith.constant 1536 : i32
      %dma_start3A_629 = tpu.memref_slice %arg9[%dma_start3A_627, %dma_start3A_628] : memref<32x2048xf32, #tpu.memory_space<vmem>> -> memref<32x128xf32, #tpu.memory_space<vmem>>
      %dma_start3A_630 = arith.constant 0 : i32
      %dma_start3A_631 = tpu.memref_slice %arg3[%dma_start3A_630, %multiple_of3A_626] : memref<32x1000000xf32, #tpu.memory_space<hbm>> -> memref<32x128xf32, #tpu.memory_space<hbm>>
      %dma_start3A_632 = arith.constant 0 : i32
      %dma_start3A_633 = arith.constant 1536 : i32
      %dma_start3A_634 = tpu.memref_slice %arg9[%dma_start3A_632, %dma_start3A_633] : memref<32x2048xf32, #tpu.memory_space<vmem>> -> memref<32x128xf32, #tpu.memory_space<vmem>>
      %dma_start3A_635 = arith.constant 0 : i32
      %dma_start3A_636 = tpu.memref_slice %arg3[%dma_start3A_635, %multiple_of3A_626] : memref<32x1000000xf32, #tpu.memory_space<hbm>> -> memref<32x128xf32, #tpu.memory_space<hbm>>
      tpu.enqueue_dma source(%dma_start3A_636 : memref<32x128xf32, #tpu.memory_space<hbm>>) target(%dma_start3A_634 : memref<32x128xf32, #tpu.memory_space<vmem>>) target_semaphore(%arg12 : memref<!tpu.dma_semaphore, #tpu.memory_space<semaphore_mem>>)
      %slice3A_637 = vector.extract_strided_slice %mul3A_467 {offsets = [13], sizes = [1], strides = [1]} : vector<16xi32> to vector<1xi32>
      %squeeze3A_638 = vector.extract %slice3A_637[0] : i32 from vector<1xi32>
      %multiple_of3A_639 = tpu.assume_multiple %squeeze3A_638, 128 : i32
      %dma_start3A_640 = arith.constant 0 : i32
      %dma_start3A_641 = arith.constant 1664 : i32
      %dma_start3A_642 = tpu.memref_slice %arg9[%dma_start3A_640, %dma_start3A_641] : memref<32x2048xf32, #tpu.memory_space<vmem>> -> memref<32x128xf32, #tpu.memory_space<vmem>>
      %dma_start3A_643 = arith.constant 0 : i32
      %dma_start3A_644 = tpu.memref_slice %arg3[%dma_start3A_643, %multiple_of3A_639] : memref<32x1000000xf32, #tpu.memory_space<hbm>> -> memref<32x128xf32, #tpu.memory_space<hbm>>
      %dma_start3A_645 = arith.constant 0 : i32
      %dma_start3A_646 = arith.constant 1664 : i32
      %dma_start3A_647 = tpu.memref_slice %arg9[%dma_start3A_645, %dma_start3A_646] : memref<32x2048xf32, #tpu.memory_space<vmem>> -> memref<32x128xf32, #tpu.memory_space<vmem>>
      %dma_start3A_648 = arith.constant 0 : i32
      %dma_start3A_649 = tpu.memref_slice %arg3[%dma_start3A_648, %multiple_of3A_639] : memref<32x1000000xf32, #tpu.memory_space<hbm>> -> memref<32x128xf32, #tpu.memory_space<hbm>>
      tpu.enqueue_dma source(%dma_start3A_649 : memref<32x128xf32, #tpu.memory_space<hbm>>) target(%dma_start3A_647 : memref<32x128xf32, #tpu.memory_space<vmem>>) target_semaphore(%arg12 : memref<!tpu.dma_semaphore, #tpu.memory_space<semaphore_mem>>)
      %slice3A_650 = vector.extract_strided_slice %mul3A_467 {offsets = [14], sizes = [1], strides = [1]} : vector<16xi32> to vector<1xi32>
      %squeeze3A_651 = vector.extract %slice3A_650[0] : i32 from vector<1xi32>
      %multiple_of3A_652 = tpu.assume_multiple %squeeze3A_651, 128 : i32
      %dma_start3A_653 = arith.constant 0 : i32
      %dma_start3A_654 = arith.constant 1792 : i32
      %dma_start3A_655 = tpu.memref_slice %arg9[%dma_start3A_653, %dma_start3A_654] : memref<32x2048xf32, #tpu.memory_space<vmem>> -> memref<32x128xf32, #tpu.memory_space<vmem>>
      %dma_start3A_656 = arith.constant 0 : i32
      %dma_start3A_657 = tpu.memref_slice %arg3[%dma_start3A_656, %multiple_of3A_652] : memref<32x1000000xf32, #tpu.memory_space<hbm>> -> memref<32x128xf32, #tpu.memory_space<hbm>>
      %dma_start3A_658 = arith.constant 0 : i32
      %dma_start3A_659 = arith.constant 1792 : i32
      %dma_start3A_660 = tpu.memref_slice %arg9[%dma_start3A_658, %dma_start3A_659] : memref<32x2048xf32, #tpu.memory_space<vmem>> -> memref<32x128xf32, #tpu.memory_space<vmem>>
      %dma_start3A_661 = arith.constant 0 : i32
      %dma_start3A_662 = tpu.memref_slice %arg3[%dma_start3A_661, %multiple_of3A_652] : memref<32x1000000xf32, #tpu.memory_space<hbm>> -> memref<32x128xf32, #tpu.memory_space<hbm>>
      tpu.enqueue_dma source(%dma_start3A_662 : memref<32x128xf32, #tpu.memory_space<hbm>>) target(%dma_start3A_660 : memref<32x128xf32, #tpu.memory_space<vmem>>) target_semaphore(%arg12 : memref<!tpu.dma_semaphore, #tpu.memory_space<semaphore_mem>>)
      %slice3A_663 = vector.extract_strided_slice %mul3A_467 {offsets = [15], sizes = [1], strides = [1]} : vector<16xi32> to vector<1xi32>
      %squeeze3A_664 = vector.extract %slice3A_663[0] : i32 from vector<1xi32>
      %multiple_of3A_665 = tpu.assume_multiple %squeeze3A_664, 128 : i32
      %dma_start3A_666 = arith.constant 0 : i32
      %dma_start3A_667 = arith.constant 1920 : i32
      %dma_start3A_668 = tpu.memref_slice %arg9[%dma_start3A_666, %dma_start3A_667] : memref<32x2048xf32, #tpu.memory_space<vmem>> -> memref<32x128xf32, #tpu.memory_space<vmem>>
      %dma_start3A_669 = arith.constant 0 : i32
      %dma_start3A_670 = tpu.memref_slice %arg3[%dma_start3A_669, %multiple_of3A_665] : memref<32x1000000xf32, #tpu.memory_space<hbm>> -> memref<32x128xf32, #tpu.memory_space<hbm>>
      %dma_start3A_671 = arith.constant 0 : i32
      %dma_start3A_672 = arith.constant 1920 : i32
      %dma_start3A_673 = tpu.memref_slice %arg9[%dma_start3A_671, %dma_start3A_672] : memref<32x2048xf32, #tpu.memory_space<vmem>> -> memref<32x128xf32, #tpu.memory_space<vmem>>
      %dma_start3A_674 = arith.constant 0 : i32
      %dma_start3A_675 = tpu.memref_slice %arg3[%dma_start3A_674, %multiple_of3A_665] : memref<32x1000000xf32, #tpu.memory_space<hbm>> -> memref<32x128xf32, #tpu.memory_space<hbm>>
      tpu.enqueue_dma source(%dma_start3A_675 : memref<32x128xf32, #tpu.memory_space<hbm>>) target(%dma_start3A_673 : memref<32x128xf32, #tpu.memory_space<vmem>>) target_semaphore(%arg12 : memref<!tpu.dma_semaphore, #tpu.memory_space<semaphore_mem>>)
      %dma_wait3A_676 = arith.constant 0 : i32
      %dma_wait3A_677 = arith.constant 0 : i32
      %dma_wait3A_678 = tpu.memref_slice %arg3[%dma_wait3A_676, %dma_wait3A_677] : memref<32x1000000xf32, #tpu.memory_space<hbm>> -> memref<32x2048xf32, #tpu.memory_space<hbm>>
      %dma_wait3A_679 = arith.constant 0 : i32
      %dma_wait3A_680 = arith.constant 0 : i32
      %dma_wait3A_681 = tpu.memref_slice %arg3[%dma_wait3A_679, %dma_wait3A_680] : memref<32x1000000xf32, #tpu.memory_space<hbm>> -> memref<32x2048xf32, #tpu.memory_space<hbm>>
      tpu.wait_dma2 semaphore(%arg12 : memref<!tpu.dma_semaphore, #tpu.memory_space<semaphore_mem>>) src(%dma_wait3A_681 : memref<32x2048xf32, #tpu.memory_space<hbm>>) dst(%arg9 : memref<32x2048xf32, #tpu.memory_space<vmem>>)
      %mul3A_682 = arith.constant 16 : i32
      %mul3A_683 = arith.muli %scan3A_8, %mul3A_682 : i32
      %add3A_684 = vector.broadcast %mul3A_683 : i32 to vector<16xi32>
      %add3A_685 = arith.addi %add3A_684, %iota3A : vector<16xi32>
      %gather3A_686 = tpu.vector_load_idx %arg8[%add3A_685] : memref<512xi32, #tpu.memory_space<vmem>>[vector<16xi32>], vector<16xi32>,
      %mul3A_687 = arith.constant 128 : i32
      %mul3A_688 = vector.broadcast %mul3A_687 : i32 to vector<16xi32>
      %mul3A_689 = arith.muli %iota3A, %mul3A_688 : vector<16xi32>
      %and3A_690 = arith.constant 127 : i32
      %and3A_691 = vector.broadcast %and3A_690 : i32 to vector<16xi32>
      %and3A_692 = arith.andi %gather3A_686, %and3A_691 : vector<16xi32>
      %add3A_693 = arith.addi %mul3A_689, %and3A_692 : vector<16xi32>
      %broadcast_in_dim3A_694 = arith.constant 0.000000e+00 : f32
      %broadcast_in_dim3A_695 = vector.broadcast %broadcast_in_dim3A_694 : f32 to vector<16xf32>
      %broadcast_in_dim3A_696 = arith.constant 0 : i32
      %broadcast_in_dim3A_697 = vector.broadcast %broadcast_in_dim3A_696 : i32 to vector<16xi32>
      %gather3A_698 = tpu.vector_load_idx %arg9[%broadcast_in_dim3A_697, %add3A_693] : memref<32x2048xf32, #tpu.memory_space<vmem>>[vector<16xi32>, vector<16xi32>], vector<16xf32>,
      %get3A_699 = arith.constant 0 : i32
      %get3A_700 = arith.index_cast %get3A_699 : i32 to index
      %get3A_701 = arith.constant 0 : index
      %get3A_702 = tpu.vector_load %arg10[%get3A_700, %get3A_701] {strides = array<i32>} : memref<32x16xf32, #tpu.memory_space<vmem>>, vector<16xf32>,
      %mul3A_703 = arith.mulf %gather3A_698, %get3A_702 : vector<16xf32>
      %add3A_704 = arith.addf %broadcast_in_dim3A_695, %mul3A_703 : vector<16xf32>
      %broadcast_in_dim3A_705 = arith.constant 1 : i32
      %broadcast_in_dim3A_706 = vector.broadcast %broadcast_in_dim3A_705 : i32 to vector<16xi32>
      %gather3A_707 = tpu.vector_load_idx %arg9[%broadcast_in_dim3A_706, %add3A_693] : memref<32x2048xf32, #tpu.memory_space<vmem>>[vector<16xi32>, vector<16xi32>], vector<16xf32>,
      %get3A_708 = arith.constant 1 : i32
      %get3A_709 = arith.index_cast %get3A_708 : i32 to index
      %get3A_710 = arith.constant 0 : index
      %get3A_711 = tpu.vector_load %arg10[%get3A_709, %get3A_710] {strides = array<i32>} : memref<32x16xf32, #tpu.memory_space<vmem>>, vector<16xf32>,
      %mul3A_712 = arith.mulf %gather3A_707, %get3A_711 : vector<16xf32>
      %add3A_713 = arith.addf %add3A_704, %mul3A_712 : vector<16xf32>
      %broadcast_in_dim3A_714 = arith.constant 2 : i32
      %broadcast_in_dim3A_715 = vector.broadcast %broadcast_in_dim3A_714 : i32 to vector<16xi32>
      %gather3A_716 = tpu.vector_load_idx %arg9[%broadcast_in_dim3A_715, %add3A_693] : memref<32x2048xf32, #tpu.memory_space<vmem>>[vector<16xi32>, vector<16xi32>], vector<16xf32>,
      %get3A_717 = arith.constant 2 : i32
      %get3A_718 = arith.index_cast %get3A_717 : i32 to index
      %get3A_719 = arith.constant 0 : index
      %get3A_720 = tpu.vector_load %arg10[%get3A_718, %get3A_719] {strides = array<i32>} : memref<32x16xf32, #tpu.memory_space<vmem>>, vector<16xf32>,
      %mul3A_721 = arith.mulf %gather3A_716, %get3A_720 : vector<16xf32>
      %add3A_722 = arith.addf %add3A_713, %mul3A_721 : vector<16xf32>
      %broadcast_in_dim3A_723 = arith.constant 3 : i32
      %broadcast_in_dim3A_724 = vector.broadcast %broadcast_in_dim3A_723 : i32 to vector<16xi32>
      %gather3A_725 = tpu.vector_load_idx %arg9[%broadcast_in_dim3A_724, %add3A_693] : memref<32x2048xf32, #tpu.memory_space<vmem>>[vector<16xi32>, vector<16xi32>], vector<16xf32>,
      %get3A_726 = arith.constant 3 : i32
      %get3A_727 = arith.index_cast %get3A_726 : i32 to index
      %get3A_728 = arith.constant 0 : index
      %get3A_729 = tpu.vector_load %arg10[%get3A_727, %get3A_728] {strides = array<i32>} : memref<32x16xf32, #tpu.memory_space<vmem>>, vector<16xf32>,
      %mul3A_730 = arith.mulf %gather3A_725, %get3A_729 : vector<16xf32>
      %add3A_731 = arith.addf %add3A_722, %mul3A_730 : vector<16xf32>
      %broadcast_in_dim3A_732 = arith.constant 4 : i32
      %broadcast_in_dim3A_733 = vector.broadcast %broadcast_in_dim3A_732 : i32 to vector<16xi32>
      %gather3A_734 = tpu.vector_load_idx %arg9[%broadcast_in_dim3A_733, %add3A_693] : memref<32x2048xf32, #tpu.memory_space<vmem>>[vector<16xi32>, vector<16xi32>], vector<16xf32>,
      %get3A_735 = arith.constant 4 : i32
      %get3A_736 = arith.index_cast %get3A_735 : i32 to index
      %get3A_737 = arith.constant 0 : index
      %get3A_738 = tpu.vector_load %arg10[%get3A_736, %get3A_737] {strides = array<i32>} : memref<32x16xf32, #tpu.memory_space<vmem>>, vector<16xf32>,
      %mul3A_739 = arith.mulf %gather3A_734, %get3A_738 : vector<16xf32>
      %add3A_740 = arith.addf %add3A_731, %mul3A_739 : vector<16xf32>
      %broadcast_in_dim3A_741 = arith.constant 5 : i32
      %broadcast_in_dim3A_742 = vector.broadcast %broadcast_in_dim3A_741 : i32 to vector<16xi32>
      %gather3A_743 = tpu.vector_load_idx %arg9[%broadcast_in_dim3A_742, %add3A_693] : memref<32x2048xf32, #tpu.memory_space<vmem>>[vector<16xi32>, vector<16xi32>], vector<16xf32>,
      %get3A_744 = arith.constant 5 : i32
      %get3A_745 = arith.index_cast %get3A_744 : i32 to index
      %get3A_746 = arith.constant 0 : index
      %get3A_747 = tpu.vector_load %arg10[%get3A_745, %get3A_746] {strides = array<i32>} : memref<32x16xf32, #tpu.memory_space<vmem>>, vector<16xf32>,
      %mul3A_748 = arith.mulf %gather3A_743, %get3A_747 : vector<16xf32>
      %add3A_749 = arith.addf %add3A_740, %mul3A_748 : vector<16xf32>
      %broadcast_in_dim3A_750 = arith.constant 6 : i32
      %broadcast_in_dim3A_751 = vector.broadcast %broadcast_in_dim3A_750 : i32 to vector<16xi32>
      %gather3A_752 = tpu.vector_load_idx %arg9[%broadcast_in_dim3A_751, %add3A_693] : memref<32x2048xf32, #tpu.memory_space<vmem>>[vector<16xi32>, vector<16xi32>], vector<16xf32>,
      %get3A_753 = arith.constant 6 : i32
      %get3A_754 = arith.index_cast %get3A_753 : i32 to index
      %get3A_755 = arith.constant 0 : index
      %get3A_756 = tpu.vector_load %arg10[%get3A_754, %get3A_755] {strides = array<i32>} : memref<32x16xf32, #tpu.memory_space<vmem>>, vector<16xf32>,
      %mul3A_757 = arith.mulf %gather3A_752, %get3A_756 : vector<16xf32>
      %add3A_758 = arith.addf %add3A_749, %mul3A_757 : vector<16xf32>
      %broadcast_in_dim3A_759 = arith.constant 7 : i32
      %broadcast_in_dim3A_760 = vector.broadcast %broadcast_in_dim3A_759 : i32 to vector<16xi32>
      %gather3A_761 = tpu.vector_load_idx %arg9[%broadcast_in_dim3A_760, %add3A_693] : memref<32x2048xf32, #tpu.memory_space<vmem>>[vector<16xi32>, vector<16xi32>], vector<16xf32>,
      %get3A_762 = arith.constant 7 : i32
      %get3A_763 = arith.index_cast %get3A_762 : i32 to index
      %get3A_764 = arith.constant 0 : index
      %get3A_765 = tpu.vector_load %arg10[%get3A_763, %get3A_764] {strides = array<i32>} : memref<32x16xf32, #tpu.memory_space<vmem>>, vector<16xf32>,
      %mul3A_766 = arith.mulf %gather3A_761, %get3A_765 : vector<16xf32>
      %add3A_767 = arith.addf %add3A_758, %mul3A_766 : vector<16xf32>
      %broadcast_in_dim3A_768 = arith.constant 8 : i32
      %broadcast_in_dim3A_769 = vector.broadcast %broadcast_in_dim3A_768 : i32 to vector<16xi32>
      %gather3A_770 = tpu.vector_load_idx %arg9[%broadcast_in_dim3A_769, %add3A_693] : memref<32x2048xf32, #tpu.memory_space<vmem>>[vector<16xi32>, vector<16xi32>], vector<16xf32>,
      %get3A_771 = arith.constant 8 : i32
      %get3A_772 = arith.index_cast %get3A_771 : i32 to index
      %get3A_773 = arith.constant 0 : index
      %get3A_774 = tpu.vector_load %arg10[%get3A_772, %get3A_773] {strides = array<i32>} : memref<32x16xf32, #tpu.memory_space<vmem>>, vector<16xf32>,
      %mul3A_775 = arith.mulf %gather3A_770, %get3A_774 : vector<16xf32>
      %add3A_776 = arith.addf %add3A_767, %mul3A_775 : vector<16xf32>
      %broadcast_in_dim3A_777 = arith.constant 9 : i32
      %broadcast_in_dim3A_778 = vector.broadcast %broadcast_in_dim3A_777 : i32 to vector<16xi32>
      %gather3A_779 = tpu.vector_load_idx %arg9[%broadcast_in_dim3A_778, %add3A_693] : memref<32x2048xf32, #tpu.memory_space<vmem>>[vector<16xi32>, vector<16xi32>], vector<16xf32>,
      %get3A_780 = arith.constant 9 : i32
      %get3A_781 = arith.index_cast %get3A_780 : i32 to index
      %get3A_782 = arith.constant 0 : index
      %get3A_783 = tpu.vector_load %arg10[%get3A_781, %get3A_782] {strides = array<i32>} : memref<32x16xf32, #tpu.memory_space<vmem>>, vector<16xf32>,
      %mul3A_784 = arith.mulf %gather3A_779, %get3A_783 : vector<16xf32>
      %add3A_785 = arith.addf %add3A_776, %mul3A_784 : vector<16xf32>
      %broadcast_in_dim3A_786 = arith.constant 10 : i32
      %broadcast_in_dim3A_787 = vector.broadcast %broadcast_in_dim3A_786 : i32 to vector<16xi32>
      %gather3A_788 = tpu.vector_load_idx %arg9[%broadcast_in_dim3A_787, %add3A_693] : memref<32x2048xf32, #tpu.memory_space<vmem>>[vector<16xi32>, vector<16xi32>], vector<16xf32>,
      %get3A_789 = arith.constant 10 : i32
      %get3A_790 = arith.index_cast %get3A_789 : i32 to index
      %get3A_791 = arith.constant 0 : index
      %get3A_792 = tpu.vector_load %arg10[%get3A_790, %get3A_791] {strides = array<i32>} : memref<32x16xf32, #tpu.memory_space<vmem>>, vector<16xf32>,
      %mul3A_793 = arith.mulf %gather3A_788, %get3A_792 : vector<16xf32>
      %add3A_794 = arith.addf %add3A_785, %mul3A_793 : vector<16xf32>
      %broadcast_in_dim3A_795 = arith.constant 11 : i32
      %broadcast_in_dim3A_796 = vector.broadcast %broadcast_in_dim3A_795 : i32 to vector<16xi32>
      %gather3A_797 = tpu.vector_load_idx %arg9[%broadcast_in_dim3A_796, %add3A_693] : memref<32x2048xf32, #tpu.memory_space<vmem>>[vector<16xi32>, vector<16xi32>], vector<16xf32>,
      %get3A_798 = arith.constant 11 : i32
      %get3A_799 = arith.index_cast %get3A_798 : i32 to index
      %get3A_800 = arith.constant 0 : index
      %get3A_801 = tpu.vector_load %arg10[%get3A_799, %get3A_800] {strides = array<i32>} : memref<32x16xf32, #tpu.memory_space<vmem>>, vector<16xf32>,
      %mul3A_802 = arith.mulf %gather3A_797, %get3A_801 : vector<16xf32>
      %add3A_803 = arith.addf %add3A_794, %mul3A_802 : vector<16xf32>
      %broadcast_in_dim3A_804 = arith.constant 12 : i32
      %broadcast_in_dim3A_805 = vector.broadcast %broadcast_in_dim3A_804 : i32 to vector<16xi32>
      %gather3A_806 = tpu.vector_load_idx %arg9[%broadcast_in_dim3A_805, %add3A_693] : memref<32x2048xf32, #tpu.memory_space<vmem>>[vector<16xi32>, vector<16xi32>], vector<16xf32>,
      %get3A_807 = arith.constant 12 : i32
      %get3A_808 = arith.index_cast %get3A_807 : i32 to index
      %get3A_809 = arith.constant 0 : index
      %get3A_810 = tpu.vector_load %arg10[%get3A_808, %get3A_809] {strides = array<i32>} : memref<32x16xf32, #tpu.memory_space<vmem>>, vector<16xf32>,
      %mul3A_811 = arith.mulf %gather3A_806, %get3A_810 : vector<16xf32>
      %add3A_812 = arith.addf %add3A_803, %mul3A_811 : vector<16xf32>
      %broadcast_in_dim3A_813 = arith.constant 13 : i32
      %broadcast_in_dim3A_814 = vector.broadcast %broadcast_in_dim3A_813 : i32 to vector<16xi32>
      %gather3A_815 = tpu.vector_load_idx %arg9[%broadcast_in_dim3A_814, %add3A_693] : memref<32x2048xf32, #tpu.memory_space<vmem>>[vector<16xi32>, vector<16xi32>], vector<16xf32>,
      %get3A_816 = arith.constant 13 : i32
      %get3A_817 = arith.index_cast %get3A_816 : i32 to index
      %get3A_818 = arith.constant 0 : index
      %get3A_819 = tpu.vector_load %arg10[%get3A_817, %get3A_818] {strides = array<i32>} : memref<32x16xf32, #tpu.memory_space<vmem>>, vector<16xf32>,
      %mul3A_820 = arith.mulf %gather3A_815, %get3A_819 : vector<16xf32>
      %add3A_821 = arith.addf %add3A_812, %mul3A_820 : vector<16xf32>
      %broadcast_in_dim3A_822 = arith.constant 14 : i32
      %broadcast_in_dim3A_823 = vector.broadcast %broadcast_in_dim3A_822 : i32 to vector<16xi32>
      %gather3A_824 = tpu.vector_load_idx %arg9[%broadcast_in_dim3A_823, %add3A_693] : memref<32x2048xf32, #tpu.memory_space<vmem>>[vector<16xi32>, vector<16xi32>], vector<16xf32>,
      %get3A_825 = arith.constant 14 : i32
      %get3A_826 = arith.index_cast %get3A_825 : i32 to index
      %get3A_827 = arith.constant 0 : index
      %get3A_828 = tpu.vector_load %arg10[%get3A_826, %get3A_827] {strides = array<i32>} : memref<32x16xf32, #tpu.memory_space<vmem>>, vector<16xf32>,
      %mul3A_829 = arith.mulf %gather3A_824, %get3A_828 : vector<16xf32>
      %add3A_830 = arith.addf %add3A_821, %mul3A_829 : vector<16xf32>
      %broadcast_in_dim3A_831 = arith.constant 15 : i32
      %broadcast_in_dim3A_832 = vector.broadcast %broadcast_in_dim3A_831 : i32 to vector<16xi32>
      %gather3A_833 = tpu.vector_load_idx %arg9[%broadcast_in_dim3A_832, %add3A_693] : memref<32x2048xf32, #tpu.memory_space<vmem>>[vector<16xi32>, vector<16xi32>], vector<16xf32>,
      %get3A_834 = arith.constant 15 : i32
      %get3A_835 = arith.index_cast %get3A_834 : i32 to index
      %get3A_836 = arith.constant 0 : index
      %get3A_837 = tpu.vector_load %arg10[%get3A_835, %get3A_836] {strides = array<i32>} : memref<32x16xf32, #tpu.memory_space<vmem>>, vector<16xf32>,
      %mul3A_838 = arith.mulf %gather3A_833, %get3A_837 : vector<16xf32>
      %add3A_839 = arith.addf %add3A_830, %mul3A_838 : vector<16xf32>
      %broadcast_in_dim3A_840 = arith.constant 16 : i32
      %broadcast_in_dim3A_841 = vector.broadcast %broadcast_in_dim3A_840 : i32 to vector<16xi32>
      %gather3A_842 = tpu.vector_load_idx %arg9[%broadcast_in_dim3A_841, %add3A_693] : memref<32x2048xf32, #tpu.memory_space<vmem>>[vector<16xi32>, vector<16xi32>], vector<16xf32>,
      %get3A_843 = arith.constant 16 : i32
      %get3A_844 = arith.index_cast %get3A_843 : i32 to index
      %get3A_845 = arith.constant 0 : index
      %get3A_846 = tpu.vector_load %arg10[%get3A_844, %get3A_845] {strides = array<i32>} : memref<32x16xf32, #tpu.memory_space<vmem>>, vector<16xf32>,
      %mul3A_847 = arith.mulf %gather3A_842, %get3A_846 : vector<16xf32>
      %add3A_848 = arith.addf %add3A_839, %mul3A_847 : vector<16xf32>
      %broadcast_in_dim3A_849 = arith.constant 17 : i32
      %broadcast_in_dim3A_850 = vector.broadcast %broadcast_in_dim3A_849 : i32 to vector<16xi32>
      %gather3A_851 = tpu.vector_load_idx %arg9[%broadcast_in_dim3A_850, %add3A_693] : memref<32x2048xf32, #tpu.memory_space<vmem>>[vector<16xi32>, vector<16xi32>], vector<16xf32>,
      %get3A_852 = arith.constant 17 : i32
      %get3A_853 = arith.index_cast %get3A_852 : i32 to index
      %get3A_854 = arith.constant 0 : index
      %get3A_855 = tpu.vector_load %arg10[%get3A_853, %get3A_854] {strides = array<i32>} : memref<32x16xf32, #tpu.memory_space<vmem>>, vector<16xf32>,
      %mul3A_856 = arith.mulf %gather3A_851, %get3A_855 : vector<16xf32>
      %add3A_857 = arith.addf %add3A_848, %mul3A_856 : vector<16xf32>
      %broadcast_in_dim3A_858 = arith.constant 18 : i32
      %broadcast_in_dim3A_859 = vector.broadcast %broadcast_in_dim3A_858 : i32 to vector<16xi32>
      %gather3A_860 = tpu.vector_load_idx %arg9[%broadcast_in_dim3A_859, %add3A_693] : memref<32x2048xf32, #tpu.memory_space<vmem>>[vector<16xi32>, vector<16xi32>], vector<16xf32>,
      %get3A_861 = arith.constant 18 : i32
      %get3A_862 = arith.index_cast %get3A_861 : i32 to index
      %get3A_863 = arith.constant 0 : index
      %get3A_864 = tpu.vector_load %arg10[%get3A_862, %get3A_863] {strides = array<i32>} : memref<32x16xf32, #tpu.memory_space<vmem>>, vector<16xf32>,
      %mul3A_865 = arith.mulf %gather3A_860, %get3A_864 : vector<16xf32>
      %add3A_866 = arith.addf %add3A_857, %mul3A_865 : vector<16xf32>
      %broadcast_in_dim3A_867 = arith.constant 19 : i32
      %broadcast_in_dim3A_868 = vector.broadcast %broadcast_in_dim3A_867 : i32 to vector<16xi32>
      %gather3A_869 = tpu.vector_load_idx %arg9[%broadcast_in_dim3A_868, %add3A_693] : memref<32x2048xf32, #tpu.memory_space<vmem>>[vector<16xi32>, vector<16xi32>], vector<16xf32>,
      %get3A_870 = arith.constant 19 : i32
      %get3A_871 = arith.index_cast %get3A_870 : i32 to index
      %get3A_872 = arith.constant 0 : index
      %get3A_873 = tpu.vector_load %arg10[%get3A_871, %get3A_872] {strides = array<i32>} : memref<32x16xf32, #tpu.memory_space<vmem>>, vector<16xf32>,
      %mul3A_874 = arith.mulf %gather3A_869, %get3A_873 : vector<16xf32>
      %add3A_875 = arith.addf %add3A_866, %mul3A_874 : vector<16xf32>
      %broadcast_in_dim3A_876 = arith.constant 20 : i32
      %broadcast_in_dim3A_877 = vector.broadcast %broadcast_in_dim3A_876 : i32 to vector<16xi32>
      %gather3A_878 = tpu.vector_load_idx %arg9[%broadcast_in_dim3A_877, %add3A_693] : memref<32x2048xf32, #tpu.memory_space<vmem>>[vector<16xi32>, vector<16xi32>], vector<16xf32>,
      %get3A_879 = arith.constant 20 : i32
      %get3A_880 = arith.index_cast %get3A_879 : i32 to index
      %get3A_881 = arith.constant 0 : index
      %get3A_882 = tpu.vector_load %arg10[%get3A_880, %get3A_881] {strides = array<i32>} : memref<32x16xf32, #tpu.memory_space<vmem>>, vector<16xf32>,
      %mul3A_883 = arith.mulf %gather3A_878, %get3A_882 : vector<16xf32>
      %add3A_884 = arith.addf %add3A_875, %mul3A_883 : vector<16xf32>
      %broadcast_in_dim3A_885 = arith.constant 21 : i32
      %broadcast_in_dim3A_886 = vector.broadcast %broadcast_in_dim3A_885 : i32 to vector<16xi32>
      %gather3A_887 = tpu.vector_load_idx %arg9[%broadcast_in_dim3A_886, %add3A_693] : memref<32x2048xf32, #tpu.memory_space<vmem>>[vector<16xi32>, vector<16xi32>], vector<16xf32>,
      %get3A_888 = arith.constant 21 : i32
      %get3A_889 = arith.index_cast %get3A_888 : i32 to index
      %get3A_890 = arith.constant 0 : index
      %get3A_891 = tpu.vector_load %arg10[%get3A_889, %get3A_890] {strides = array<i32>} : memref<32x16xf32, #tpu.memory_space<vmem>>, vector<16xf32>,
      %mul3A_892 = arith.mulf %gather3A_887, %get3A_891 : vector<16xf32>
      %add3A_893 = arith.addf %add3A_884, %mul3A_892 : vector<16xf32>
      %broadcast_in_dim3A_894 = arith.constant 22 : i32
      %broadcast_in_dim3A_895 = vector.broadcast %broadcast_in_dim3A_894 : i32 to vector<16xi32>
      %gather3A_896 = tpu.vector_load_idx %arg9[%broadcast_in_dim3A_895, %add3A_693] : memref<32x2048xf32, #tpu.memory_space<vmem>>[vector<16xi32>, vector<16xi32>], vector<16xf32>,
      %get3A_897 = arith.constant 22 : i32
      %get3A_898 = arith.index_cast %get3A_897 : i32 to index
      %get3A_899 = arith.constant 0 : index
      %get3A_900 = tpu.vector_load %arg10[%get3A_898, %get3A_899] {strides = array<i32>} : memref<32x16xf32, #tpu.memory_space<vmem>>, vector<16xf32>,
      %mul3A_901 = arith.mulf %gather3A_896, %get3A_900 : vector<16xf32>
      %add3A_902 = arith.addf %add3A_893, %mul3A_901 : vector<16xf32>
      %broadcast_in_dim3A_903 = arith.constant 23 : i32
      %broadcast_in_dim3A_904 = vector.broadcast %broadcast_in_dim3A_903 : i32 to vector<16xi32>
      %gather3A_905 = tpu.vector_load_idx %arg9[%broadcast_in_dim3A_904, %add3A_693] : memref<32x2048xf32, #tpu.memory_space<vmem>>[vector<16xi32>, vector<16xi32>], vector<16xf32>,
      %get3A_906 = arith.constant 23 : i32
      %get3A_907 = arith.index_cast %get3A_906 : i32 to index
      %get3A_908 = arith.constant 0 : index
      %get3A_909 = tpu.vector_load %arg10[%get3A_907, %get3A_908] {strides = array<i32>} : memref<32x16xf32, #tpu.memory_space<vmem>>, vector<16xf32>,
      %mul3A_910 = arith.mulf %gather3A_905, %get3A_909 : vector<16xf32>
      %add3A_911 = arith.addf %add3A_902, %mul3A_910 : vector<16xf32>
      %broadcast_in_dim3A_912 = arith.constant 24 : i32
      %broadcast_in_dim3A_913 = vector.broadcast %broadcast_in_dim3A_912 : i32 to vector<16xi32>
      %gather3A_914 = tpu.vector_load_idx %arg9[%broadcast_in_dim3A_913, %add3A_693] : memref<32x2048xf32, #tpu.memory_space<vmem>>[vector<16xi32>, vector<16xi32>], vector<16xf32>,
      %get3A_915 = arith.constant 24 : i32
      %get3A_916 = arith.index_cast %get3A_915 : i32 to index
      %get3A_917 = arith.constant 0 : index
      %get3A_918 = tpu.vector_load %arg10[%get3A_916, %get3A_917] {strides = array<i32>} : memref<32x16xf32, #tpu.memory_space<vmem>>, vector<16xf32>,
      %mul3A_919 = arith.mulf %gather3A_914, %get3A_918 : vector<16xf32>
      %add3A_920 = arith.addf %add3A_911, %mul3A_919 : vector<16xf32>
      %broadcast_in_dim3A_921 = arith.constant 25 : i32
      %broadcast_in_dim3A_922 = vector.broadcast %broadcast_in_dim3A_921 : i32 to vector<16xi32>
      %gather3A_923 = tpu.vector_load_idx %arg9[%broadcast_in_dim3A_922, %add3A_693] : memref<32x2048xf32, #tpu.memory_space<vmem>>[vector<16xi32>, vector<16xi32>], vector<16xf32>,
      %get3A_924 = arith.constant 25 : i32
      %get3A_925 = arith.index_cast %get3A_924 : i32 to index
      %get3A_926 = arith.constant 0 : index
      %get3A_927 = tpu.vector_load %arg10[%get3A_925, %get3A_926] {strides = array<i32>} : memref<32x16xf32, #tpu.memory_space<vmem>>, vector<16xf32>,
      %mul3A_928 = arith.mulf %gather3A_923, %get3A_927 : vector<16xf32>
      %add3A_929 = arith.addf %add3A_920, %mul3A_928 : vector<16xf32>
      %broadcast_in_dim3A_930 = arith.constant 26 : i32
      %broadcast_in_dim3A_931 = vector.broadcast %broadcast_in_dim3A_930 : i32 to vector<16xi32>
      %gather3A_932 = tpu.vector_load_idx %arg9[%broadcast_in_dim3A_931, %add3A_693] : memref<32x2048xf32, #tpu.memory_space<vmem>>[vector<16xi32>, vector<16xi32>], vector<16xf32>,
      %get3A_933 = arith.constant 26 : i32
      %get3A_934 = arith.index_cast %get3A_933 : i32 to index
      %get3A_935 = arith.constant 0 : index
      %get3A_936 = tpu.vector_load %arg10[%get3A_934, %get3A_935] {strides = array<i32>} : memref<32x16xf32, #tpu.memory_space<vmem>>, vector<16xf32>,
      %mul3A_937 = arith.mulf %gather3A_932, %get3A_936 : vector<16xf32>
      %add3A_938 = arith.addf %add3A_929, %mul3A_937 : vector<16xf32>
      %broadcast_in_dim3A_939 = arith.constant 27 : i32
      %broadcast_in_dim3A_940 = vector.broadcast %broadcast_in_dim3A_939 : i32 to vector<16xi32>
      %gather3A_941 = tpu.vector_load_idx %arg9[%broadcast_in_dim3A_940, %add3A_693] : memref<32x2048xf32, #tpu.memory_space<vmem>>[vector<16xi32>, vector<16xi32>], vector<16xf32>,
      %get3A_942 = arith.constant 27 : i32
      %get3A_943 = arith.index_cast %get3A_942 : i32 to index
      %get3A_944 = arith.constant 0 : index
      %get3A_945 = tpu.vector_load %arg10[%get3A_943, %get3A_944] {strides = array<i32>} : memref<32x16xf32, #tpu.memory_space<vmem>>, vector<16xf32>,
      %mul3A_946 = arith.mulf %gather3A_941, %get3A_945 : vector<16xf32>
      %add3A_947 = arith.addf %add3A_938, %mul3A_946 : vector<16xf32>
      %broadcast_in_dim3A_948 = arith.constant 28 : i32
      %broadcast_in_dim3A_949 = vector.broadcast %broadcast_in_dim3A_948 : i32 to vector<16xi32>
      %gather3A_950 = tpu.vector_load_idx %arg9[%broadcast_in_dim3A_949, %add3A_693] : memref<32x2048xf32, #tpu.memory_space<vmem>>[vector<16xi32>, vector<16xi32>], vector<16xf32>,
      %get3A_951 = arith.constant 28 : i32
      %get3A_952 = arith.index_cast %get3A_951 : i32 to index
      %get3A_953 = arith.constant 0 : index
      %get3A_954 = tpu.vector_load %arg10[%get3A_952, %get3A_953] {strides = array<i32>} : memref<32x16xf32, #tpu.memory_space<vmem>>, vector<16xf32>,
      %mul3A_955 = arith.mulf %gather3A_950, %get3A_954 : vector<16xf32>
      %add3A_956 = arith.addf %add3A_947, %mul3A_955 : vector<16xf32>
      %broadcast_in_dim3A_957 = arith.constant 29 : i32
      %broadcast_in_dim3A_958 = vector.broadcast %broadcast_in_dim3A_957 : i32 to vector<16xi32>
      %gather3A_959 = tpu.vector_load_idx %arg9[%broadcast_in_dim3A_958, %add3A_693] : memref<32x2048xf32, #tpu.memory_space<vmem>>[vector<16xi32>, vector<16xi32>], vector<16xf32>,
      %get3A_960 = arith.constant 29 : i32
      %get3A_961 = arith.index_cast %get3A_960 : i32 to index
      %get3A_962 = arith.constant 0 : index
      %get3A_963 = tpu.vector_load %arg10[%get3A_961, %get3A_962] {strides = array<i32>} : memref<32x16xf32, #tpu.memory_space<vmem>>, vector<16xf32>,
      %mul3A_964 = arith.mulf %gather3A_959, %get3A_963 : vector<16xf32>
      %add3A_965 = arith.addf %add3A_956, %mul3A_964 : vector<16xf32>
      %broadcast_in_dim3A_966 = arith.constant 30 : i32
      %broadcast_in_dim3A_967 = vector.broadcast %broadcast_in_dim3A_966 : i32 to vector<16xi32>
      %gather3A_968 = tpu.vector_load_idx %arg9[%broadcast_in_dim3A_967, %add3A_693] : memref<32x2048xf32, #tpu.memory_space<vmem>>[vector<16xi32>, vector<16xi32>], vector<16xf32>,
      %get3A_969 = arith.constant 30 : i32
      %get3A_970 = arith.index_cast %get3A_969 : i32 to index
      %get3A_971 = arith.constant 0 : index
      %get3A_972 = tpu.vector_load %arg10[%get3A_970, %get3A_971] {strides = array<i32>} : memref<32x16xf32, #tpu.memory_space<vmem>>, vector<16xf32>,
      %mul3A_973 = arith.mulf %gather3A_968, %get3A_972 : vector<16xf32>
      %add3A_974 = arith.addf %add3A_965, %mul3A_973 : vector<16xf32>
      %broadcast_in_dim3A_975 = arith.constant 31 : i32
      %broadcast_in_dim3A_976 = vector.broadcast %broadcast_in_dim3A_975 : i32 to vector<16xi32>
      %gather3A_977 = tpu.vector_load_idx %arg9[%broadcast_in_dim3A_976, %add3A_693] : memref<32x2048xf32, #tpu.memory_space<vmem>>[vector<16xi32>, vector<16xi32>], vector<16xf32>,
      %get3A_978 = arith.constant 31 : i32
      %get3A_979 = arith.index_cast %get3A_978 : i32 to index
      %get3A_980 = arith.constant 0 : index
      %get3A_981 = tpu.vector_load %arg10[%get3A_979, %get3A_980] {strides = array<i32>} : memref<32x16xf32, #tpu.memory_space<vmem>>, vector<16xf32>,
      %mul3A_982 = arith.mulf %gather3A_977, %get3A_981 : vector<16xf32>
      %add3A_983 = arith.addf %add3A_974, %mul3A_982 : vector<16xf32>
      %mul3A_984 = arith.constant 16 : i32
      %mul3A_985 = arith.muli %scan3A_8, %mul3A_984 : i32
      %swap3A_986 = arith.index_cast %mul3A_985 : i32 to index
      %swap3A_987 = tpu.vector_load %arg11[%swap3A_986] {strides = array<i32>} : memref<512xf32, #tpu.memory_space<vmem>>, vector<16xf32>,
      tpu.vector_store %arg11[%swap3A_986], %add3A_983 {strides = array<i32>} : memref<512xf32, #tpu.memory_space<vmem>>, vector<16xf32>,
    }
    %scan3A_7 = arith.constant 32 : i32
    "tpu.region"() ({
      %run_scoped3A = tpu.sem_alloc : memref<!tpu.dma_semaphore, #tpu.memory_space<semaphore_mem>>
      %dma_start3A = tpu.memref_slice %arg6[%mul3A_2] : memref<16384xf32, #tpu.memory_space<hbm>> -> memref<512xf32, #tpu.memory_space<hbm>>
      %dma_start3A_8 = tpu.memref_slice %arg6[%mul3A_2] : memref<16384xf32, #tpu.memory_space<hbm>> -> memref<512xf32, #tpu.memory_space<hbm>>
      tpu.enqueue_dma source(%arg11 : memref<512xf32, #tpu.memory_space<vmem>>) target(%dma_start3A_8 : memref<512xf32, #tpu.memory_space<hbm>>) target_semaphore(%run_scoped3A : memref<!tpu.dma_semaphore, #tpu.memory_space<semaphore_mem>>)
      %dma_wait3A = tpu.memref_slice %arg6[%mul3A_2] : memref<16384xf32, #tpu.memory_space<hbm>> -> memref<512xf32, #tpu.memory_space<hbm>>
      %dma_wait3A_9 = tpu.memref_slice %arg6[%mul3A_2] : memref<16384xf32, #tpu.memory_space<hbm>> -> memref<512xf32, #tpu.memory_space<hbm>>
      tpu.wait_dma2 semaphore(%run_scoped3A : memref<!tpu.dma_semaphore, #tpu.memory_space<semaphore_mem>>) src(%arg11 : memref<512xf32, #tpu.memory_space<vmem>>) dst(%dma_wait3A_9 : memref<512xf32, #tpu.memory_space<hbm>>)
      tpu.yield
    }) : () -> ()
    return
  }
}

</mosaic_0001>

<sc_bundles>
// kernel: kernel.3.cloned.1.call-start
scs
__scs_entry_jumppad:
0x0: {  	(pc) =	sbr.rel $0x88, $3  }
0x1: {  	(tag) =	ssettag $0x0;
	lr =	simm.s32 $0x1  }
0x2: {  	[smem:$0x3F9D] =	sst lr;
	_ =	strace $0xD0000000  }
0x3: {  	_ = 	snop  }
0x4: {  	_ = 	snop  }
0x5: {  	_ = 	snop  }
0x6: {  	_ = 	snop  }
0x7: {  	_ = 	snop  }
__scs_overlays_trampoline_lowered:
0x8: {  	[smem:$0x3FAC] =	sst s0  }
0x9: {  	[smem:$0x3FAD] =	sst s1  }
0xa: {  	[smem:$0x3FAE] =	sst s2  }
0xb: {  	[smem:$0x3FAF] =	sst s3  }
0xc: {  	[smem:$0x3FB0] =	sst s4  }
0xd: {  	[smem:$0x3FB1] =	sst s5  }
0xe: {  	[smem:$0x3FB2] =	sst s6  }
0xf: {  	[smem:$0x3FB3] =	sst s7  }
0x10: {  	[smem:$0x3FB4] =	sst s8  }
0x11: {  	[smem:$0x3FB5] =	sst s9;
	s0 =	simm.s32 @!p0 $0x0  }
0x12: {  	s1 =	sld [smem:$0x3F9B];
	s0 =	simm.s32 @p0 $0x1  }
0x13: {  	[smem:$0x3FB6] =	sst s0;
	s0 =	simm.s32 @!p1 $0x0  }
0x14: {  	s2 =	sld [smem:$0x3F9A];
	s0 =	simm.s32 @p1 $0x1  }
0x15: {  	[smem:$0x3FB7] =	sst s0;
	s0 =	simm.s32 @!p2 $0x0  }
0x16: {  	s3 =	sld [smem:$0x3FDB];
	s0 =	simm.s32 @p2 $0x1  }
0x17: {  	s4 =	simm.s32 $0x1BF5;
	[smem:$0x3FB9] =	sst s0  }
0x18: {  	s0 =	sld [smem:$0x3F9C];
	_ =	swait.ge [sflag:s4], $0x0  }
0x19: {  	s7 =	sld [smem:$0x3F9D]  }
0x1a: {  	s8 =	sadd.s32 $0xFFFFE003, lr  }
0x1b: {  	s9 =	sadd.s32 $0xFFFFFEF7, lr;
	s5 =	simm.s32 $0xFFFFFFFF;
	p2 =	slt.u32 s8, $0xFFFFF086  }
0x1c: {  	p1 =	slt.u32 s9, $0xF7A;
	s5 =	simm.s32 @!p2 $0x0  }
0x1d: {  	s5 =	simm.s32 @p1 $0x1;
	p0 =	seq.s32 s7, s2  }
0x1e: {  	s7 =	smul.u32 @!p0 $0xF7A, s2;
	p2 =	seq.s32 @!p0 s5, $0x0  }
0x1f: {  	s9 =	smul.u32 $0xF7A, s1;
	s8 =	simm.s32 @!p0 $0x1BF5;
	p2 =	por !p2, p0  }
0x20: {  	[sflag:s8] =	ssyncset.s32 @!p0 $0xFFFFF086;
	s6 =	sadd.s32 @!p0 s3, s7;
	s7 =	simm.s32 @!p0 $0x108  }
0x21: {  	s3 =	sadd.s32 s3, s9;
	s6 =	sadd.s32 @!p0 $0x88, s6;
	s7 =	simm.s32 @p2 $0x1082  }
0x22: {  	[simem:s7], [sflag:s8] =	dma.local @!p0 [hbm:s6], $0xF7A  }
0x23: {  	s9 =	sor.u32 $0xD0000000, s2;
	s6 =	simm.s32 $0x108;
	_ =	swait.ge @!p0 [sflag:s8], $0x0  }
0x24: {  	s3 =	sadd.s32 $0x88, s3;
	s6 =	simm.s32 @!p1 $0x1082;
	[sflag:s4] =	ssyncset.s32 $0xFFFFF086  }
0x25: {  	[simem:s6], [sflag:s4] =	dma.local [hbm:s3], $0xF7A  }
0x26: {  	[smem:$0x3F9D] =	sst s1;
	(tag) =	ssettag s2;
	_ =	strace s9  }
0x27: {  	s1 =	sld [smem:$0x3FAD]  }
0x28: {  	s2 =	sld [smem:$0x3FAE]  }
0x29: {  	s4 =	sld [smem:$0x3FB0]  }
0x2a: {  	p0 =	seq.s32 s5, $0x0;
	s5 =	sld [smem:$0x3FB1]  }
0x2b: {  	s6 =	sld [smem:$0x3FB2]  }
0x2c: {  	s7 =	sld [smem:$0x3FB3]  }
0x2d: {  	s3 =	simm.s32 $0x108;
	s8 =	sld [smem:$0x3FB4]  }
0x2e: {  	s3 =	simm.s32 @!p0 $0x1082;
	s9 =	sld [smem:$0x3FB5]  }
0x2f: {  	lr =	sadd.s32 s0, s3;
	s0 =	sld [smem:$0x3FAC]  }
0x30: {  	s3 =	sld [smem:$0x3FAF]  }
0x31: {  	[smem:$0x3FB8] =	sst s10  }
0x32: {  	s10 =	sld [smem:$0x3FB6];
	_ =	sdelay $0x3  }
0x33: {  	p0 =	seq.s32 s10, $0x1;
	s10 =	sld [smem:$0x3FB8];
	_ =	sdelay $0x3  }
0x34: {  	[smem:$0x3FB8] =	sst s10  }
0x35: {  	s10 =	sld [smem:$0x3FB7];
	_ =	sdelay $0x3  }
0x36: {  	p1 =	seq.s32 s10, $0x1;
	s10 =	sld [smem:$0x3FB8];
	_ =	sdelay $0x3  }
0x37: {  	[smem:$0x3FB8] =	sst s10  }
0x38: {  	s10 =	sld [smem:$0x3FB9]  }
0x39: {  	_ = 	snop;
	(pc) =	sbr.ind lr, $3  }
0x3a: {  	_ = 	snop  }
0x3b: {  	_ = 	snop  }
0x3c: {  	p2 =	seq.s32 s10, $0x1;
	s10 =	sld [smem:$0x3FB8]  }
0x3d: {  	_ =	shalt  }
0x3e: {  	_ =	shalt  }
0x3f: {  	_ =	shalt  }
0x40: {  	_ =	shalt  }
0x41: {  	_ =	shalt  }
0x42: {  	_ =	shalt  }
0x43: {  	_ =	shalt  }
0x44: {  	_ =	shalt  }
0x45: {  	_ =	shalt  }
0x46: {  	_ =	shalt  }
0x47: {  	_ =	shalt  }
0x48: {  	_ =	shalt  }
0x49: {  	_ =	shalt  }
0x4a: {  	_ =	shalt  }
0x4b: {  	_ =	shalt  }
0x4c: {  	_ =	shalt  }
0x4d: {  	_ =	shalt  }
0x4e: {  	_ =	shalt  }
0x4f: {  	_ =	shalt  }
0x50: {  	_ =	shalt  }
0x51: {  	_ =	shalt  }
0x52: {  	_ =	shalt  }
0x53: {  	_ =	shalt  }
0x54: {  	_ =	shalt  }
0x55: {  	_ =	shalt  }
0x56: {  	_ =	shalt  }
0x57: {  	_ =	shalt  }
0x58: {  	_ =	shalt  }
0x59: {  	_ =	shalt  }
0x5a: {  	_ =	shalt  }
0x5b: {  	_ =	shalt  }
0x5c: {  	_ =	shalt  }
0x5d: {  	_ =	shalt  }
0x5e: {  	_ =	shalt  }
0x5f: {  	_ =	shalt  }
0x60: {  	_ =	shalt  }
0x61: {  	_ =	shalt  }
0x62: {  	_ =	shalt  }
0x63: {  	_ =	shalt  }
0x64: {  	_ =	shalt  }
0x65: {  	_ =	shalt  }
0x66: {  	_ =	shalt  }
0x67: {  	_ =	shalt  }
0x68: {  	_ =	shalt  }
0x69: {  	_ =	shalt  }
0x6a: {  	_ =	shalt  }
0x6b: {  	_ =	shalt  }
0x6c: {  	_ =	shalt  }
0x6d: {  	_ =	shalt  }
0x6e: {  	_ =	shalt  }
0x6f: {  	_ =	shalt  }
0x70: {  	_ =	shalt  }
0x71: {  	_ =	shalt  }
0x72: {  	_ =	shalt  }
0x73: {  	_ =	shalt  }
0x74: {  	_ =	shalt  }
0x75: {  	_ =	shalt  }
0x76: {  	_ =	shalt  }
0x77: {  	_ =	shalt  }
0x78: {  	_ =	shalt  }
0x79: {  	_ =	shalt  }
0x7a: {  	_ =	shalt  }
0x7b: {  	_ =	shalt  }
0x7c: {  	_ =	shalt  }
0x7d: {  	_ =	shalt  }
0x7e: {  	_ =	shalt  }
0x7f: {  	_ =	shalt  }
0x80: {  	_ =	shalt  }
0x81: {  	_ =	shalt  }
0x82: {  	_ =	shalt  }
0x83: {  	_ =	shalt  }
0x84: {  	_ =	shalt  }
0x85: {  	_ =	shalt  }
0x86: {  	_ =	shalt  }
0x87: {  	_ =	shalt  }
.Lfunc_end0:
.L_simem_size_0:
called_computation_lowered:
.L_overlay_start_0:
0x88: {  	s2 =	sld [smem:$0x3FD9]  }
0x89: {  	s3 =	sld [smem:$0x3FFE];
	_ =	sdelay $0x1  }
0x8a: {  	s1 =	srdreg.scid  }
0x8b: {  	s0 =	sand.u32 $0x1, s1  }
0x8c: {  	s18 =	sshll.u32 s0, $0xA;
	s2 =	sadd.s32 s3, s2  }
0x8d: {  	s2 =	sadd.s32 s2, s18  }
0x8e: {  	[smem:$0x3FC4] =	sst s2  }
0x8f: {  	_ = 	snop  }
0x90: {  	s2 =	sld [smem:$0x3FC9]  }
0x91: {  	s19 =	sld [smem:$0x3FC8]  }
0x92: {  	s4 =	sld [smem:$0x3FC7]  }
0x93: {  	s5 =	sld [smem:$0x3FC6]  }
0x94: {  	s6 =	sld [smem:$0x3FD0];
	(tm) =	ssettm $0x1  }
0x95: {  	s7 =	sld [smem:$0x3FFB];
	_ =	sdelay $0x3  }
0x96: {  	_ =	strace s7  }
0x97: {  	s7 =	sld [smem:$0x3FFC];
	_ =	sdelay $0x3  }
0x98: {  	_ =	strace s7  }
0x99: {  	s7 =	sld [smem:$0x3FFD];
	_ =	sdelay $0x3  }
0x9a: {  	_ =	strace s7  }
0x9b: {  	_ =	strace $0x8FFFFFFF  }
0x9c: {  	s20 =	sld [smem:$0x3FDB];
	_ =	sdelay $0x1  }
0x9d: {  	s8 =	simm.s32 $_scs_section_size  }
0x9e: {  	s9 =	simm.s32 $_size__tile_overlayer_lowered;
	s10 =	simm.s32 $_tile_overlayer_lowered  }
0x9f: {  	s23 =	simm.s32 $0x1BFF;
	s22 =	sshll.u32 s10, $0x1;
	s7 =	sadd.s32 s8, s20  }
0xa0: {  	s11 =	simm.s32 $0x0;
	s21 =	sshll.u32 s9, $0x1;
	s9 =	sadd.s32 s22, s7  }
0xa1: {  	[timem:s11], [sflag:s23] =	dma.local [hbm:s9], s21  }
0xa2: {  	_ =	swait.ge [sflag:s23], s21  }
0xa3: {  	s8 =	ssub.s32 $0x0, s21;
	[sflag:s23] =	ssyncset.done $0x0  }
0xa4: {  	[sflag:s23] =	ssyncadd.s32 s8;
	_ =	sdelay $0x1  }
0xa5: {  	s24 =	simm.s32 $0x1B8B  }
0xa6: {  	_ =	swait.ge [sflag:s24], $0x1  }
0xa7: {  	[sflag:s24] =	ssyncset.done $0x0  }
0xa8: {  	s25 =	simm.s32 $0x1B8E;
	[sflag:s24] =	ssyncadd.s32 $0xFFFFFFFF  }
0xa9: {  	s26 =	simm.s32 $execute0_lowered;
	[smem:$0x3FD2] =	sst s25  }
0xaa: {  	s8 =	sshll.u32 s26, $0x1;
	_ =	strace $0x80000046;
	[dreg:$0x1] =	wrdreg $0xFFFFFFFF  }
0xab: {  	s28 =	simm.s32 $_size_execute0_lowered;
	s7 =	sadd.s32 s7, s8;
	[dreg:$0x0] =	wrdreg $0x0  }
0xac: {  	s8 =	sshll.u32 s28, $0x1;
	[dreg:$0x2] =	wrdreg s7  }
0xad: {  	[dreg:$0x3] =	wrdreg s8  }
0xae: {  	[dreg:$0x4] =	wrdreg $0xC0  }
0xaf: {  	_ =	task [dreg:s11], $0x5FFFF  }
0xb0: {  	[dreg:$0x1] =	wrdreg $0xFFFFFFFF  }
0xb1: {  	[dreg:$0x0] =	wrdreg $0x60  }
0xb2: {  	[dreg:$0x2] =	wrdreg s2  }
0xb3: {  	[dreg:$0x3] =	wrdreg s19  }
0xb4: {  	[dreg:$0x4] =	wrdreg s4  }
0xb5: {  	[dreg:$0x5] =	wrdreg s5  }
0xb6: {  	[dreg:$0x6] =	wrdreg s6  }
0xb7: {  	[dreg:$0x7] =	wrdreg $0x9  }
0xb8: {  	_ =	task.clear_ibuf [dreg:s11], $0x8FFFF;
	_ =	strace $0x90000046  }
0xb9: {  	s29 =	simm.s32 $0x9;
	_ =	strace $0x80000048  }
0xba: {  	_ =	swait.ge [sflag:s29], $0x1  }
0xbb: {  	[sflag:s29] =	ssyncadd.s32 $0xFFFFFFFF  }
0xbc: {  	_ =	strace $0x90000048  }
0xbd: {  	_ =	sfence  }
0xbe: {  	s30 =	sld [smem:$0x0];
	_ =	sdelay $0x2  }
0xbf: {  	s31 =	sshll.u32 s1, $0xD;
	s1 =	sshrl.u32 s1, $0x2  }
0xc0: {  	s3 =	sand.u32 $0x4000, s31;
	s1 =	sadd.s32 s1, s30  }
0xc1: {  	s0 =	sor.u32 s3, s0;
	s1 =	sshll.u32 s1, $0x11  }
0xc2: {  	s0 =	sor.u32 s1, s0  }
0xc3: {  	s0 =	sadd.s32 $0x8F2B, s0  }
0xc4: {  	[sflag:s0] =	ssyncadd.remote.s32 $0x1  }
0xc5: {  	_ =	sfence.sel $0xFFFF  }
0xc6: {  	[dreg:$0x0] =	wrdreg $0xFFFFFFFF;
	(pc) =	sbr.abs _section_cstart, $3  }
0xc7: {  	[dreg:$0x1] =	wrdreg $0xFFFFFFFF  }
0xc8: {  	_ =	task.clear_ibuf [dreg:s11], $0x2FFFF;
	_ =	strace $0x9FFFFFFF  }
0xc9: {  	(tm) =	ssettm $0x7FFFFFFF  }
tec
execute0_lowered:
.L_overlay_start_1:
0x0: {  	(tag) =	ssettag $0x1  }
0x1: {  	s0 =	rddreg [dreg:$0x0]  }
0x2: {  	s22 =	rddreg [dreg:$0x1]  }
0x3: {  	s23 =	rddreg [dreg:$0x2]  }
0x4: {  	s1 =	rddreg [dreg:$0x3]  }
0x5: {  	s3 =	rddreg [dreg:$0x4]  }
0x6: {  	s4 =	srdreg.scid;
	s2 =	simm.s32 $0x0;
	s6 =	stileid.u32  }
0x7: {  	s16 =	simm.s32 $0x2;
	s8 =	simm.s32 $0x400;
	v0 =	vlaneseq.u32;
	s9 =	simm.s32 $0x200  }
0x8: {  	s11 =	simm.s32 $0x4400;
	s12 =	simm.s32 $0x8400;
	s13 =	simm.s32 $0xC400;
	v1 =	vmul.u32 $0x400, v0  }
0x9: {  	s21 =	simm.s32 $0x800;
	s28 =	simm.s32 $0x8C00;
	s29 =	simm.s32 $0xCC00  }
0xa: {  	s30 =	simm.s32 $0x1000;
	s31 =	simm.s32 $0x5000;
	[dreg:$0x6] =	wrdreg s0;
	v2 =	vor.u32 $0x80, v1  }
0xb: {  	[dreg:$0x7] =	wrdreg s22;
	s4 =	sand.u32 $0x1, s4;
	s6 =	sshll.u32 s6, $0x7;
	v3 =	vor.u32 $0x100, v1;
	v4 =	vor.u32 $0x180, v1;
	v5 =	vor.u32 $0x200, v1  }
0xc: {  	[smem:$0x7FF] =	sst s2;
	s22 =	simm.s32 $0x4800;
	s5 =	ssub.s32 $0x2, s4;
	v6 =	vor.u32 $0x280, v1;
	v7 =	vor.u32 $0x300, v1;
	v8 =	vor.u32 $0x380, v1  }
0xd: {  	s4 =	sshll.u32 s4, $0x6;
	_ =	strace $0x80000047;
	s7 =	sshrl.u32 s5, $0x1;
	v9 =	vor.u32 $0x4000, v1;
	v10 =	vor.u32 $0x4080, v1;
	v11 =	vor.u32 $0x4100, v1  }
0xe: {  	s4 =	sor.u32 s4, s6;
	v12 =	vor.u32 $0x4180, v1;
	v13 =	vor.u32 $0x4200, v1;
	v14 =	vor.u32 $0x4280, v1;
	s6 =	simm.s32 $0xD400;
	s5 =	ssub.s32 s5, s7  }
0xf: {  	v15 =	vor.u32 $0x4300, v1;
	v16 =	vor.u32 $0x4380, v1;
	v17 =	vor.u32 $0x8000, v1;
	s0 =	sadd.s32 s23, s4;
	s24 =	sadd.s32 s1, s4;
	s25 =	sadd.s32 s3, s4  }
0x10: {  	v18 =	vor.u32 $0x8080, v1;
	v19 =	vor.u32 $0x8100, v1;
	v20 =	vor.u32 $0x8180, v1;
	s23 =	simm.s32 $0x8800;
	s1 =	simm.s32 $0xD000;
	[dreg:$0x8] =	wrdreg s0  }
0x11: {  	v21 =	vor.u32 $0x8200, v1;
	v22 =	vor.u32 $0x8280, v1;
	v23 =	vor.u32 $0x8300, v1;
	s3 =	simm.s32 $0x1400;
	s4 =	simm.s32 $0x5400;
	[dreg:$0x9] =	wrdreg s24  }
0x12: {  	v24 =	vor.u32 $0x8380, v1;
	v25 =	vor.u32 $0xC000, v1;
	v26 =	vor.u32 $0xC080, v1;
	s7 =	simm.s32 $0x1800;
	[dreg:$0xa] =	wrdreg s25;
	s26 =	smax.u32 s5, $0x1  }
0x13: {  	v27 =	vor.u32 $0xC100, v1;
	v28 =	vor.u32 $0xC180, v1;
	v29 =	vor.u32 $0xC200, v1;
	s0 =	simm.s32 $0x0;
	s24 =	simm.s32 $0xC800;
	s25 =	simm.s32 $0xC00  }
0x14: {  	v30 =	vor.u32 $0xC280, v1;
	v31 =	vor.u32 $0xC300, v1;
	v32 =	vor.u32 $0xC380, v1;
	s5 =	simm.s32 $0x9400;
	[dreg:$0xb] =	wrdreg s26;
	s26 =	simm.s32 $0x4C00  }
.LBB2_1:
0x15: {  	[dreg:$0xc] =	wrdreg s0  }
0x16: {  	s15 =	rddreg [dreg:$0x8]  }
0x17: {  	[tilespmem:s2], [sflag:$0x2] =	stream.linear.gather [hbm4b:s15+s2], $0x200, $0x38;
	[tilespmem:$0x11600] =	vst v63  }
0x18: {  	_ =	swait.ge [sflag:s16], $0x200  }
0x19: {  	[sflag:s16] =	ssyncset.done $0x0  }
0x1a: {  	s20 =	rddreg [dreg:$0x9];
	[sflag:s16] =	ssyncadd.s32 $0xFFFFFE00  }
0x1b: {  	[tilespmem:s9], [sflag:$0x2] =	stream.linear.gather [hbm4b:s20+s2], $0x200, $0x38;
	[tilespmem:$0x11600] =	vst v63  }
0x1c: {  	_ =	swait.ge [sflag:s16], $0x200  }
0x1d: {  	s17 =	simm.s32 $0x0;
	s18 =	simm.s32 $0x0;
	[sflag:s16] =	ssyncset.done $0x0  }
0x1e: {  	s15 =	simm.s32 $0x11400;
	[sflag:s16] =	ssyncadd.s32 $0xFFFFFE00;
	s16 =	simm.s32 $0x200  }
.LBB2_2:
0x1f: {  	v33 =	vld [tilespmem:s17+$0x0];
	_ =	sdelay $0x4  }
0x20: {  	s19 =	rddreg [dreg:$0x6];
	v33 =	vand.u32 $0xFFFFFF80, v33  }
0x21: {  	v33 =	vadd.s32 s19, v33  }
0x22: {  	(v2sf) =	vpush v33, $0x0;
	_ =	sdelay $0x7  }
0x23: {  	(v2sf) =	vpush v33, $0x1;
	_ =	sdelay $0x6  }
0x24: {  	s0 =	spop (v2sf)  }
0x25: {  	(v2sf) =	vpush v33, $0x2;
	[tilespmem:s8], [sflag:$0x1] =	stream.linear.gather [hbm4b:s0+s2], $0x400, $0x38;
	[tilespmem:$0x11600] =	vst v63  }
0x26: {  	s20 =	sadd.s32 $0xF4280, s0  }
0x27: {  	[tilespmem:s11], [sflag:$0x1] =	stream.linear.gather [hbm4b:s20+s2], $0x400, $0x38;
	[tilespmem:$0x11600] =	vst v63  }
0x28: {  	s9 =	sadd.s32 $0x1E8500, s0  }
0x29: {  	[tilespmem:s12], [sflag:$0x1] =	stream.linear.gather [hbm4b:s9+s2], $0x400, $0x38;
	[tilespmem:$0x11600] =	vst v63  }
0x2a: {  	s19 =	sadd.s32 $0x2DC780, s0  }
0x2b: {  	[tilespmem:s13], [sflag:$0x1] =	stream.linear.gather [hbm4b:s19+s2], $0x400, $0x38;
	[tilespmem:$0x11600] =	vst v63  }
0x2c: {  	s14 =	spop (v2sf)  }
0x2d: {  	(v2sf) =	vpush v33, $0x3;
	[tilespmem:s21], [sflag:$0x1] =	stream.linear.gather [hbm4b:s14+s2], $0x400, $0x38;
	[tilespmem:$0x11600] =	vst v63  }
0x2e: {  	s0 =	sadd.s32 $0xF4280, s14  }
0x2f: {  	[tilespmem:s22], [sflag:$0x1] =	stream.linear.gather [hbm4b:s0+s2], $0x400, $0x38;
	[tilespmem:$0x11600] =	vst v63  }
0x30: {  	s9 =	sadd.s32 $0x1E8500, s14  }
0x31: {  	[tilespmem:s23], [sflag:$0x1] =	stream.linear.gather [hbm4b:s9+s2], $0x400, $0x38;
	[tilespmem:$0x11600] =	vst v63  }
0x32: {  	s19 =	sadd.s32 $0x2DC780, s14  }
0x33: {  	[tilespmem:s24], [sflag:$0x1] =	stream.linear.gather [hbm4b:s19+s2], $0x400, $0x38;
	[tilespmem:$0x11600] =	vst v63  }
0x34: {  	s14 =	spop (v2sf)  }
0x35: {  	(v2sf) =	vpush v33, $0x4;
	[tilespmem:s25], [sflag:$0x1] =	stream.linear.gather [hbm4b:s14+s2], $0x400, $0x38;
	[tilespmem:$0x11600] =	vst v63  }
0x36: {  	s0 =	sadd.s32 $0xF4280, s14  }
0x37: {  	[tilespmem:s26], [sflag:$0x1] =	stream.linear.gather [hbm4b:s0+s2], $0x400, $0x38;
	[tilespmem:$0x11600] =	vst v63  }
0x38: {  	s9 =	sadd.s32 $0x1E8500, s14  }
0x39: {  	[tilespmem:s28], [sflag:$0x1] =	stream.linear.gather [hbm4b:s9+s2], $0x400, $0x38;
	[tilespmem:$0x11600] =	vst v63  }
0x3a: {  	s19 =	sadd.s32 $0x2DC780, s14  }
0x3b: {  	[tilespmem:s29], [sflag:$0x1] =	stream.linear.gather [hbm4b:s19+s2], $0x400, $0x38;
	[tilespmem:$0x11600] =	vst v63  }
0x3c: {  	s14 =	spop (v2sf)  }
0x3d: {  	(v2sf) =	vpush v33, $0x5;
	[tilespmem:s30], [sflag:$0x1] =	stream.linear.gather [hbm4b:s14+s2], $0x400, $0x38;
	[tilespmem:$0x11600] =	vst v63  }
0x3e: {  	s0 =	sadd.s32 $0xF4280, s14  }
0x3f: {  	[tilespmem:s31], [sflag:$0x1] =	stream.linear.gather [hbm4b:s0+s2], $0x400, $0x38;
	[tilespmem:$0x11600] =	vst v63  }
0x40: {  	s9 =	sadd.s32 $0x1E8500, s14;
	s0 =	simm.s32 $0x9000  }
0x41: {  	[tilespmem:s0], [sflag:$0x1] =	stream.linear.gather [hbm4b:s9+s2], $0x400, $0x38;
	[tilespmem:$0x11600] =	vst v63  }
0x42: {  	s19 =	sadd.s32 $0x2DC780, s14  }
0x43: {  	[tilespmem:s1], [sflag:$0x1] =	stream.linear.gather [hbm4b:s19+s2], $0x400, $0x38;
	[tilespmem:$0x11600] =	vst v63  }
0x44: {  	s19 =	spop (v2sf)  }
0x45: {  	(v2sf) =	vpush v33, $0x6;
	[tilespmem:s3], [sflag:$0x1] =	stream.linear.gather [hbm4b:s19+s2], $0x400, $0x38;
	[tilespmem:$0x11600] =	vst v63  }
0x46: {  	s14 =	sadd.s32 $0xF4280, s19  }
0x47: {  	[tilespmem:s4], [sflag:$0x1] =	stream.linear.gather [hbm4b:s14+s2], $0x400, $0x38;
	[tilespmem:$0x11600] =	vst v63  }
0x48: {  	s9 =	sadd.s32 $0x1E8500, s19  }
0x49: {  	[tilespmem:s5], [sflag:$0x1] =	stream.linear.gather [hbm4b:s9+s2], $0x400, $0x38;
	[tilespmem:$0x11600] =	vst v63  }
0x4a: {  	s19 =	sadd.s32 $0x2DC780, s19  }
0x4b: {  	[tilespmem:s6], [sflag:$0x1] =	stream.linear.gather [hbm4b:s19+s2], $0x400, $0x38;
	[tilespmem:$0x11600] =	vst v63  }
0x4c: {  	s19 =	spop (v2sf)  }
0x4d: {  	(v2sf) =	vpush v33, $0x7;
	[tilespmem:s7], [sflag:$0x1] =	stream.linear.gather [hbm4b:s19+s2], $0x400, $0x38;
	[tilespmem:$0x11600] =	vst v63  }
0x4e: {  	s9 =	simm.s32 $0x5800;
	s14 =	sadd.s32 $0xF4280, s19  }
0x4f: {  	[tilespmem:s9], [sflag:$0x1] =	stream.linear.gather [hbm4b:s14+s2], $0x400, $0x38;
	[tilespmem:$0x11600] =	vst v63  }
0x50: {  	s20 =	sadd.s32 $0x1E8500, s19;
	s14 =	simm.s32 $0x9800  }
0x51: {  	[tilespmem:s14], [sflag:$0x1] =	stream.linear.gather [hbm4b:s20+s2], $0x400, $0x38;
	[tilespmem:$0x11600] =	vst v63  }
0x52: {  	s19 =	sadd.s32 $0x2DC780, s19;
	s20 =	simm.s32 $0xD800  }
0x53: {  	[tilespmem:s20], [sflag:$0x1] =	stream.linear.gather [hbm4b:s19+s2], $0x400, $0x38;
	[tilespmem:$0x11600] =	vst v63  }
0x54: {  	s19 =	spop (v2sf);
	s20 =	simm.s32 $0x1C00  }
0x55: {  	(v2sf) =	vpush v33, $0x8;
	[tilespmem:s20], [sflag:$0x1] =	stream.linear.gather [hbm4b:s19+s2], $0x400, $0x38;
	[tilespmem:$0x11600] =	vst v63  }
0x56: {  	s14 =	simm.s32 $0x5C00;
	s20 =	sadd.s32 $0xF4280, s19  }
0x57: {  	[tilespmem:s14], [sflag:$0x1] =	stream.linear.gather [hbm4b:s20+s2], $0x400, $0x38;
	[tilespmem:$0x11600] =	vst v63  }
0x58: {  	s20 =	sadd.s32 $0x1E8500, s19;
	s14 =	simm.s32 $0x9C00  }
0x59: {  	[tilespmem:s14], [sflag:$0x1] =	stream.linear.gather [hbm4b:s20+s2], $0x400, $0x38;
	[tilespmem:$0x11600] =	vst v63  }
0x5a: {  	s19 =	sadd.s32 $0x2DC780, s19;
	s20 =	simm.s32 $0xDC00  }
0x5b: {  	[tilespmem:s20], [sflag:$0x1] =	stream.linear.gather [hbm4b:s19+s2], $0x400, $0x38;
	[tilespmem:$0x11600] =	vst v63  }
0x5c: {  	s19 =	spop (v2sf);
	s20 =	simm.s32 $0x2000  }
0x5d: {  	(v2sf) =	vpush v33, $0x9;
	[tilespmem:s20], [sflag:$0x1] =	stream.linear.gather [hbm4b:s19+s2], $0x400, $0x38;
	[tilespmem:$0x11600] =	vst v63  }
0x5e: {  	s14 =	simm.s32 $0x6000;
	s20 =	sadd.s32 $0xF4280, s19  }
0x5f: {  	[tilespmem:s14], [sflag:$0x1] =	stream.linear.gather [hbm4b:s20+s2], $0x400, $0x38;
	[tilespmem:$0x11600] =	vst v63  }
0x60: {  	s20 =	sadd.s32 $0x1E8500, s19;
	s14 =	simm.s32 $0xA000  }
0x61: {  	[tilespmem:s14], [sflag:$0x1] =	stream.linear.gather [hbm4b:s20+s2], $0x400, $0x38;
	[tilespmem:$0x11600] =	vst v63  }
0x62: {  	s19 =	sadd.s32 $0x2DC780, s19;
	s20 =	simm.s32 $0xE000  }
0x63: {  	[tilespmem:s20], [sflag:$0x1] =	stream.linear.gather [hbm4b:s19+s2], $0x400, $0x38;
	[tilespmem:$0x11600] =	vst v63  }
0x64: {  	s19 =	spop (v2sf);
	s20 =	simm.s32 $0x2400  }
0x65: {  	(v2sf) =	vpush v33, $0xA;
	[tilespmem:s20], [sflag:$0x1] =	stream.linear.gather [hbm4b:s19+s2], $0x400, $0x38;
	[tilespmem:$0x11600] =	vst v63  }
0x66: {  	s14 =	simm.s32 $0x6400;
	s20 =	sadd.s32 $0xF4280, s19  }
0x67: {  	[tilespmem:s14], [sflag:$0x1] =	stream.linear.gather [hbm4b:s20+s2], $0x400, $0x38;
	[tilespmem:$0x11600] =	vst v63  }
0x68: {  	s20 =	sadd.s32 $0x1E8500, s19;
	s14 =	simm.s32 $0xA400  }
0x69: {  	[tilespmem:s14], [sflag:$0x1] =	stream.linear.gather [hbm4b:s20+s2], $0x400, $0x38;
	[tilespmem:$0x11600] =	vst v63  }
0x6a: {  	s19 =	sadd.s32 $0x2DC780, s19;
	s20 =	simm.s32 $0xE400  }
0x6b: {  	[tilespmem:s20], [sflag:$0x1] =	stream.linear.gather [hbm4b:s19+s2], $0x400, $0x38;
	[tilespmem:$0x11600] =	vst v63  }
0x6c: {  	s19 =	spop (v2sf);
	s20 =	simm.s32 $0x2800  }
0x6d: {  	(v2sf) =	vpush v33, $0xB;
	[tilespmem:s20], [sflag:$0x1] =	stream.linear.gather [hbm4b:s19+s2], $0x400, $0x38;
	[tilespmem:$0x11600] =	vst v63  }
0x6e: {  	s14 =	simm.s32 $0x6800;
	s20 =	sadd.s32 $0xF4280, s19  }
0x6f: {  	[tilespmem:s14], [sflag:$0x1] =	stream.linear.gather [hbm4b:s20+s2], $0x400, $0x38;
	[tilespmem:$0x11600] =	vst v63  }
0x70: {  	s20 =	sadd.s32 $0x1E8500, s19;
	s14 =	simm.s32 $0xA800  }
0x71: {  	[tilespmem:s14], [sflag:$0x1] =	stream.linear.gather [hbm4b:s20+s2], $0x400, $0x38;
	[tilespmem:$0x11600] =	vst v63  }
0x72: {  	s19 =	sadd.s32 $0x2DC780, s19;
	s20 =	simm.s32 $0xE800  }
0x73: {  	[tilespmem:s20], [sflag:$0x1] =	stream.linear.gather [hbm4b:s19+s2], $0x400, $0x38;
	[tilespmem:$0x11600] =	vst v63  }
0x74: {  	s19 =	spop (v2sf);
	s20 =	simm.s32 $0x2C00  }
0x75: {  	(v2sf) =	vpush v33, $0xC;
	[tilespmem:s20], [sflag:$0x1] =	stream.linear.gather [hbm4b:s19+s2], $0x400, $0x38;
	[tilespmem:$0x11600] =	vst v63  }
0x76: {  	s14 =	simm.s32 $0x6C00;
	s20 =	sadd.s32 $0xF4280, s19  }
0x77: {  	[tilespmem:s14], [sflag:$0x1] =	stream.linear.gather [hbm4b:s20+s2], $0x400, $0x38;
	[tilespmem:$0x11600] =	vst v63  }
0x78: {  	s20 =	sadd.s32 $0x1E8500, s19;
	s14 =	simm.s32 $0xAC00  }
0x79: {  	[tilespmem:s14], [sflag:$0x1] =	stream.linear.gather [hbm4b:s20+s2], $0x400, $0x38;
	[tilespmem:$0x11600] =	vst v63  }
0x7a: {  	s19 =	sadd.s32 $0x2DC780, s19;
	s20 =	simm.s32 $0xEC00  }
0x7b: {  	[tilespmem:s20], [sflag:$0x1] =	stream.linear.gather [hbm4b:s19+s2], $0x400, $0x38;
	[tilespmem:$0x11600] =	vst v63  }
0x7c: {  	s19 =	spop (v2sf);
	s20 =	simm.s32 $0x3000  }
0x7d: {  	(v2sf) =	vpush v33, $0xD;
	[tilespmem:s20], [sflag:$0x1] =	stream.linear.gather [hbm4b:s19+s2], $0x400, $0x38;
	[tilespmem:$0x11600] =	vst v63  }
0x7e: {  	s14 =	simm.s32 $0x7000;
	s20 =	sadd.s32 $0xF4280, s19  }
0x7f: {  	[tilespmem:s14], [sflag:$0x1] =	stream.linear.gather [hbm4b:s20+s2], $0x400, $0x38;
	[tilespmem:$0x11600] =	vst v63  }
0x80: {  	s20 =	sadd.s32 $0x1E8500, s19;
	s14 =	simm.s32 $0xB000  }
0x81: {  	[tilespmem:s14], [sflag:$0x1] =	stream.linear.gather [hbm4b:s20+s2], $0x400, $0x38;
	[tilespmem:$0x11600] =	vst v63  }
0x82: {  	s19 =	sadd.s32 $0x2DC780, s19;
	s20 =	simm.s32 $0xF000  }
0x83: {  	[tilespmem:s20], [sflag:$0x1] =	stream.linear.gather [hbm4b:s19+s2], $0x400, $0x38;
	[tilespmem:$0x11600] =	vst v63  }
0x84: {  	s19 =	spop (v2sf);
	s20 =	simm.s32 $0x3400  }
0x85: {  	(v2sf) =	vpush v33, $0xE;
	[tilespmem:s20], [sflag:$0x1] =	stream.linear.gather [hbm4b:s19+s2], $0x400, $0x38;
	[tilespmem:$0x11600] =	vst v63  }
0x86: {  	s14 =	simm.s32 $0x7400;
	s20 =	sadd.s32 $0xF4280, s19  }
0x87: {  	[tilespmem:s14], [sflag:$0x1] =	stream.linear.gather [hbm4b:s20+s2], $0x400, $0x38;
	[tilespmem:$0x11600] =	vst v63  }
0x88: {  	s20 =	sadd.s32 $0x1E8500, s19;
	s14 =	simm.s32 $0xB400  }
0x89: {  	[tilespmem:s14], [sflag:$0x1] =	stream.linear.gather [hbm4b:s20+s2], $0x400, $0x38;
	[tilespmem:$0x11600] =	vst v63  }
0x8a: {  	s19 =	sadd.s32 $0x2DC780, s19;
	s20 =	simm.s32 $0xF400  }
0x8b: {  	[tilespmem:s20], [sflag:$0x1] =	stream.linear.gather [hbm4b:s19+s2], $0x400, $0x38;
	[tilespmem:$0x11600] =	vst v63  }
0x8c: {  	s19 =	spop (v2sf);
	s20 =	simm.s32 $0x3800  }
0x8d: {  	(v2sf) =	vpush v33, $0xF;
	[tilespmem:s20], [sflag:$0x1] =	stream.linear.gather [hbm4b:s19+s2], $0x400, $0x38;
	[tilespmem:$0x11600] =	vst v63  }
0x8e: {  	s14 =	simm.s32 $0x7800;
	s20 =	sadd.s32 $0xF4280, s19  }
0x8f: {  	[tilespmem:s14], [sflag:$0x1] =	stream.linear.gather [hbm4b:s20+s2], $0x400, $0x38;
	[tilespmem:$0x11600] =	vst v63  }
0x90: {  	s20 =	sadd.s32 $0x1E8500, s19;
	s14 =	simm.s32 $0xB800  }
0x91: {  	[tilespmem:s14], [sflag:$0x1] =	stream.linear.gather [hbm4b:s20+s2], $0x400, $0x38;
	[tilespmem:$0x11600] =	vst v63  }
0x92: {  	s19 =	sadd.s32 $0x2DC780, s19;
	s20 =	simm.s32 $0xF800  }
0x93: {  	[tilespmem:s20], [sflag:$0x1] =	stream.linear.gather [hbm4b:s19+s2], $0x400, $0x38;
	[tilespmem:$0x11600] =	vst v63  }
0x94: {  	s19 =	spop (v2sf);
	s20 =	simm.s32 $0x3C00  }
0x95: {  	[tilespmem:s20], [sflag:$0x1] =	stream.linear.gather [hbm4b:s19+s2], $0x400, $0x38;
	[tilespmem:$0x11600] =	vst v63  }
0x96: {  	s14 =	simm.s32 $0x7C00;
	s20 =	sadd.s32 $0xF4280, s19  }
0x97: {  	[tilespmem:s14], [sflag:$0x1] =	stream.linear.gather [hbm4b:s20+s2], $0x400, $0x38;
	[tilespmem:$0x11600] =	vst v63  }
0x98: {  	s20 =	sadd.s32 $0x1E8500, s19;
	s14 =	simm.s32 $0xBC00  }
0x99: {  	[tilespmem:s14], [sflag:$0x1] =	stream.linear.gather [hbm4b:s20+s2], $0x400, $0x38;
	[tilespmem:$0x11600] =	vst v63  }
0x9a: {  	s19 =	sadd.s32 $0x2DC780, s19;
	s20 =	simm.s32 $0xFC00  }
0x9b: {  	[tilespmem:s20], [sflag:$0x1] =	stream.linear.gather [hbm4b:s19+s2], $0x400, $0x38;
	[tilespmem:$0x11600] =	vst v63  }
0x9c: {  	s19 =	spop (v2sf);
	s20 =	simm.s32 $0x4000  }
0x9d: {  	[tilespmem:s20], [sflag:$0x1] =	stream.linear.gather [hbm4b:s19+s2], $0x400, $0x38;
	[tilespmem:$0x11600] =	vst v63  }
0x9e: {  	s14 =	simm.s32 $0x8000;
	s20 =	sadd.s32 $0xF4280, s19  }
0x9f: {  	[tilespmem:s14], [sflag:$0x1] =	stream.linear.gather [hbm4b:s20+s2], $0x400, $0x38;
	[tilespmem:$0x11600] =	vst v63  }
0xa0: {  	s20 =	sadd.s32 $0x1E8500, s19;
	s14 =	simm.s32 $0xC000  }
0xa1: {  	[tilespmem:s14], [sflag:$0x1] =	stream.linear.gather [hbm4b:s20+s2], $0x400, $0x38;
	[tilespmem:$0x11600] =	vst v63  }
0xa2: {  	s10 =	simm.s32 $0x10000;
	s19 =	sadd.s32 $0x2DC780, s19  }
0xa3: {  	v33 =	vor.u32 s18, v0;
	[tilespmem:s10], [sflag:$0x1] =	stream.linear.gather [hbm4b:s19+s2], $0x400, $0x38;
	[tilespmem:$0x11600] =	vst v63  }
0xa4: {  	s10 =	simm.s32 $0x1  }
0xa5: {  	_ =	swait.ge [sflag:s10], $0x10000  }
0xa6: {  	[sflag:s10] =	ssyncset.done $0x0  }
0xa7: {  	[sflag:s10] =	ssyncadd.s32 $0xFFFF0000  }
0xa8: {  	v34 =	vld.idx.msk [tilespmem:v33+s2+$0x0], $0xffff;
	_ =	sdelay $0x4  }
0xa9: {  	v34 =	vand.u32 $0x7F, v34  }
0xaa: {  	v35 =	vor.u32 v1, v34;
	_ =	sdelay $0x4  }
0xab: {  	v35 =	vld.idx.msk [tilespmem:v35+s8+$0x0], $0xffff  }
0xac: {  	v36 =	vor.u32 v2, v34;
	_ =	sdelay $0x3  }
0xad: {  	[tilespmem:$0x10400] =	vst v35  }
0xae: {  	v35 =	vld.idx.msk [tilespmem:v36+s8+$0x0], $0xffff  }
0xaf: {  	v46 =	vor.u32 v3, v34;
	_ =	sdelay $0x3  }
0xb0: {  	[tilespmem:$0x10480] =	vst v35  }
0xb1: {  	v35 =	vld.idx.msk [tilespmem:v46+s8+$0x0], $0xffff  }
0xb2: {  	v47 =	vor.u32 v4, v34;
	_ =	sdelay $0x3  }
0xb3: {  	[tilespmem:$0x10500] =	vst v35  }
0xb4: {  	v35 =	vld.idx.msk [tilespmem:v47+s8+$0x0], $0xffff  }
0xb5: {  	v48 =	vor.u32 v5, v34;
	_ =	sdelay $0x3  }
0xb6: {  	[tilespmem:$0x10580] =	vst v35  }
0xb7: {  	v35 =	vld.idx.msk [tilespmem:v48+s8+$0x0], $0xffff  }
0xb8: {  	v49 =	vor.u32 v6, v34;
	_ =	sdelay $0x3  }
0xb9: {  	[tilespmem:$0x10600] =	vst v35  }
0xba: {  	v35 =	vld.idx.msk [tilespmem:v49+s8+$0x0], $0xffff  }
0xbb: {  	v50 =	vor.u32 v7, v34;
	_ =	sdelay $0x3  }
0xbc: {  	[tilespmem:$0x10680] =	vst v35  }
0xbd: {  	v35 =	vld.idx.msk [tilespmem:v50+s8+$0x0], $0xffff  }
0xbe: {  	v51 =	vor.u32 v8, v34;
	_ =	sdelay $0x3  }
0xbf: {  	[tilespmem:$0x10700] =	vst v35  }
0xc0: {  	v35 =	vld.idx.msk [tilespmem:v51+s8+$0x0], $0xffff  }
0xc1: {  	v52 =	vor.u32 v9, v34;
	_ =	sdelay $0x3  }
0xc2: {  	[tilespmem:$0x10780] =	vst v35  }
0xc3: {  	v35 =	vld.idx.msk [tilespmem:v52+s8+$0x0], $0xffff  }
0xc4: {  	v53 =	vor.u32 v10, v34;
	_ =	sdelay $0x3  }
0xc5: {  	[tilespmem:$0x10800] =	vst v35  }
0xc6: {  	v35 =	vld.idx.msk [tilespmem:v53+s8+$0x0], $0xffff  }
0xc7: {  	v54 =	vor.u32 v11, v34;
	_ =	sdelay $0x3  }
0xc8: {  	[tilespmem:$0x10880] =	vst v35  }
0xc9: {  	v35 =	vld.idx.msk [tilespmem:v54+s8+$0x0], $0xffff  }
0xca: {  	v55 =	vor.u32 v12, v34;
	_ =	sdelay $0x3  }
0xcb: {  	[tilespmem:$0x10900] =	vst v35  }
0xcc: {  	v35 =	vld.idx.msk [tilespmem:v55+s8+$0x0], $0xffff  }
0xcd: {  	v56 =	vor.u32 v13, v34;
	_ =	sdelay $0x3  }
0xce: {  	[tilespmem:$0x10980] =	vst v35  }
0xcf: {  	v35 =	vld.idx.msk [tilespmem:v56+s8+$0x0], $0xffff  }
0xd0: {  	v57 =	vor.u32 v14, v34;
	_ =	sdelay $0x3  }
0xd1: {  	[tilespmem:$0x10A00] =	vst v35  }
0xd2: {  	v35 =	vld.idx.msk [tilespmem:v57+s8+$0x0], $0xffff  }
0xd3: {  	v58 =	vor.u32 v15, v34;
	_ =	sdelay $0x3  }
0xd4: {  	[tilespmem:$0x10A80] =	vst v35  }
0xd5: {  	v35 =	vld.idx.msk [tilespmem:v58+s8+$0x0], $0xffff  }
0xd6: {  	v59 =	vor.u32 v16, v34;
	_ =	sdelay $0x3  }
0xd7: {  	[tilespmem:$0x10B00] =	vst v35  }
0xd8: {  	v35 =	vld.idx.msk [tilespmem:v59+s8+$0x0], $0xffff  }
0xd9: {  	v60 =	vor.u32 v17, v34;
	_ =	sdelay $0x3  }
0xda: {  	[tilespmem:$0x10B80] =	vst v35  }
0xdb: {  	v35 =	vld.idx.msk [tilespmem:v60+s8+$0x0], $0xffff  }
0xdc: {  	v61 =	vor.u32 v18, v34;
	_ =	sdelay $0x3  }
0xdd: {  	[tilespmem:$0x10C00] =	vst v35  }
0xde: {  	v35 =	vld.idx.msk [tilespmem:v61+s8+$0x0], $0xffff  }
0xdf: {  	v62 =	vor.u32 v19, v34;
	_ =	sdelay $0x3  }
0xe0: {  	[tilespmem:$0x10C80] =	vst v35  }
0xe1: {  	v35 =	vld.idx.msk [tilespmem:v62+s8+$0x0], $0xffff  }
0xe2: {  	v63 =	vor.u32 v20, v34;
	_ =	sdelay $0x3  }
0xe3: {  	[tilespmem:$0x10D00] =	vst v35  }
0xe4: {  	v35 =	vld.idx.msk [tilespmem:v63+s8+$0x0], $0xffff  }
0xe5: {  	v40 =	vor.u32 v21, v34;
	_ =	sdelay $0x3  }
0xe6: {  	[tilespmem:$0x10D80] =	vst v35  }
0xe7: {  	v35 =	vld.idx.msk [tilespmem:v40+s8+$0x0], $0xffff  }
0xe8: {  	v41 =	vor.u32 v22, v34;
	_ =	sdelay $0x3  }
0xe9: {  	[tilespmem:$0x10E00] =	vst v35  }
0xea: {  	v35 =	vld.idx.msk [tilespmem:v41+s8+$0x0], $0xffff  }
0xeb: {  	v42 =	vor.u32 v23, v34;
	_ =	sdelay $0x3  }
0xec: {  	[tilespmem:$0x10E80] =	vst v35  }
0xed: {  	v35 =	vld.idx.msk [tilespmem:v42+s8+$0x0], $0xffff  }
0xee: {  	v43 =	vor.u32 v24, v34;
	_ =	sdelay $0x3  }
0xef: {  	[tilespmem:$0x10F00] =	vst v35  }
0xf0: {  	v35 =	vld.idx.msk [tilespmem:v43+s8+$0x0], $0xffff  }
0xf1: {  	v44 =	vor.u32 v25, v34;
	_ =	sdelay $0x3  }
0xf2: {  	[tilespmem:$0x10F80] =	vst v35  }
0xf3: {  	v35 =	vld.idx.msk [tilespmem:v44+s8+$0x0], $0xffff  }
0xf4: {  	v45 =	vor.u32 v26, v34;
	_ =	sdelay $0x3  }
0xf5: {  	[tilespmem:$0x11000] =	vst v35  }
0xf6: {  	v35 =	vld.idx.msk [tilespmem:v45+s8+$0x0], $0xffff  }
0xf7: {  	v46 =	vor.u32 v27, v34;
	_ =	sdelay $0x3  }
0xf8: {  	[tilespmem:$0x11080] =	vst v35  }
0xf9: {  	v35 =	vld.idx.msk [tilespmem:v46+s8+$0x0], $0xffff  }
0xfa: {  	v47 =	vor.u32 v28, v34;
	_ =	sdelay $0x3  }
0xfb: {  	[tilespmem:$0x11100] =	vst v35  }
0xfc: {  	v35 =	vld.idx.msk [tilespmem:v47+s8+$0x0], $0xffff  }
0xfd: {  	v48 =	vor.u32 v29, v34;
	_ =	sdelay $0x3  }
0xfe: {  	[tilespmem:$0x11180] =	vst v35  }
0xff: {  	v35 =	vld.idx.msk [tilespmem:v48+s8+$0x0], $0xffff  }
0x100: {  	v49 =	vor.u32 v30, v34;
	_ =	sdelay $0x3  }
0x101: {  	[tilespmem:$0x11200] =	vst v35  }
0x102: {  	v35 =	vld.idx.msk [tilespmem:v49+s8+$0x0], $0xffff  }
0x103: {  	v50 =	vor.u32 v31, v34;
	_ =	sdelay $0x3  }
0x104: {  	[tilespmem:$0x11280] =	vst v35  }
0x105: {  	v35 =	vld.idx.msk [tilespmem:v50+s8+$0x0], $0xffff  }
0x106: {  	v34 =	vor.u32 v32, v34;
	_ =	sdelay $0x3  }
0x107: {  	[tilespmem:$0x11300] =	vst v35  }
0x108: {  	v34 =	vld.idx.msk [tilespmem:v34+s8+$0x0], $0xffff;
	_ =	sdelay $0x4  }
0x109: {  	[tilespmem:$0x11380] =	vst v34  }
0x10a: {  	v34 =	vld [tilespmem:s16+$0x0];
	_ =	sdelay $0x4  }
0x10b: {  	s20 =	rddreg [dreg:$0x7];
	v34 =	vand.u32 $0xFFFFFF80, v34  }
0x10c: {  	v34 =	vadd.s32 s20, v34  }
0x10d: {  	(v2sf) =	vpush v34, $0x0;
	_ =	sdelay $0x7  }
0x10e: {  	(v2sf) =	vpush v34, $0x1;
	_ =	sdelay $0x6  }
0x10f: {  	s19 =	spop (v2sf)  }
0x110: {  	(v2sf) =	vpush v34, $0x2;
	[tilespmem:s8], [sflag:$0x1] =	stream.linear.gather [hbm4b:s19+s2], $0x400, $0x38;
	[tilespmem:$0x11600] =	vst v63  }
0x111: {  	s14 =	sadd.s32 $0xF4280, s19  }
0x112: {  	[tilespmem:s11], [sflag:$0x1] =	stream.linear.gather [hbm4b:s14+s2], $0x400, $0x38;
	[tilespmem:$0x11600] =	vst v63  }
0x113: {  	s14 =	sadd.s32 $0x1E8500, s19  }
0x114: {  	[tilespmem:s12], [sflag:$0x1] =	stream.linear.gather [hbm4b:s14+s2], $0x400, $0x38;
	[tilespmem:$0x11600] =	vst v63  }
0x115: {  	s19 =	sadd.s32 $0x2DC780, s19  }
0x116: {  	[tilespmem:s13], [sflag:$0x1] =	stream.linear.gather [hbm4b:s19+s2], $0x400, $0x38;
	[tilespmem:$0x11600] =	vst v63  }
0x117: {  	s19 =	spop (v2sf)  }
0x118: {  	(v2sf) =	vpush v34, $0x3;
	[tilespmem:s21], [sflag:$0x1] =	stream.linear.gather [hbm4b:s19+s2], $0x400, $0x38;
	[tilespmem:$0x11600] =	vst v63  }
0x119: {  	s14 =	sadd.s32 $0xF4280, s19  }
0x11a: {  	[tilespmem:s22], [sflag:$0x1] =	stream.linear.gather [hbm4b:s14+s2], $0x400, $0x38;
	[tilespmem:$0x11600] =	vst v63  }
0x11b: {  	s14 =	sadd.s32 $0x1E8500, s19  }
0x11c: {  	[tilespmem:s23], [sflag:$0x1] =	stream.linear.gather [hbm4b:s14+s2], $0x400, $0x38;
	[tilespmem:$0x11600] =	vst v63  }
0x11d: {  	s19 =	sadd.s32 $0x2DC780, s19  }
0x11e: {  	[tilespmem:s24], [sflag:$0x1] =	stream.linear.gather [hbm4b:s19+s2], $0x400, $0x38;
	[tilespmem:$0x11600] =	vst v63  }
0x11f: {  	s19 =	spop (v2sf)  }
0x120: {  	(v2sf) =	vpush v34, $0x4;
	[tilespmem:s25], [sflag:$0x1] =	stream.linear.gather [hbm4b:s19+s2], $0x400, $0x38;
	[tilespmem:$0x11600] =	vst v63  }
0x121: {  	s14 =	sadd.s32 $0xF4280, s19  }
0x122: {  	[tilespmem:s26], [sflag:$0x1] =	stream.linear.gather [hbm4b:s14+s2], $0x400, $0x38;
	[tilespmem:$0x11600] =	vst v63  }
0x123: {  	s14 =	sadd.s32 $0x1E8500, s19  }
0x124: {  	[tilespmem:s28], [sflag:$0x1] =	stream.linear.gather [hbm4b:s14+s2], $0x400, $0x38;
	[tilespmem:$0x11600] =	vst v63  }
0x125: {  	s19 =	sadd.s32 $0x2DC780, s19  }
0x126: {  	[tilespmem:s29], [sflag:$0x1] =	stream.linear.gather [hbm4b:s19+s2], $0x400, $0x38;
	[tilespmem:$0x11600] =	vst v63  }
0x127: {  	s19 =	spop (v2sf)  }
0x128: {  	(v2sf) =	vpush v34, $0x5;
	[tilespmem:s30], [sflag:$0x1] =	stream.linear.gather [hbm4b:s19+s2], $0x400, $0x38;
	[tilespmem:$0x11600] =	vst v63  }
0x129: {  	s14 =	sadd.s32 $0xF4280, s19  }
0x12a: {  	[tilespmem:s31], [sflag:$0x1] =	stream.linear.gather [hbm4b:s14+s2], $0x400, $0x38;
	[tilespmem:$0x11600] =	vst v63  }
0x12b: {  	s14 =	sadd.s32 $0x1E8500, s19  }
0x12c: {  	[tilespmem:s0], [sflag:$0x1] =	stream.linear.gather [hbm4b:s14+s2], $0x400, $0x38;
	[tilespmem:$0x11600] =	vst v63  }
0x12d: {  	s19 =	sadd.s32 $0x2DC780, s19  }
0x12e: {  	[tilespmem:s1], [sflag:$0x1] =	stream.linear.gather [hbm4b:s19+s2], $0x400, $0x38;
	[tilespmem:$0x11600] =	vst v63  }
0x12f: {  	s19 =	spop (v2sf)  }
0x130: {  	(v2sf) =	vpush v34, $0x6;
	[tilespmem:s3], [sflag:$0x1] =	stream.linear.gather [hbm4b:s19+s2], $0x400, $0x38;
	[tilespmem:$0x11600] =	vst v63  }
0x131: {  	s14 =	sadd.s32 $0xF4280, s19  }
0x132: {  	[tilespmem:s4], [sflag:$0x1] =	stream.linear.gather [hbm4b:s14+s2], $0x400, $0x38;
	[tilespmem:$0x11600] =	vst v63  }
0x133: {  	s0 =	sadd.s32 $0x1E8500, s19  }
0x134: {  	[tilespmem:s5], [sflag:$0x1] =	stream.linear.gather [hbm4b:s0+s2], $0x400, $0x38;
	[tilespmem:$0x11600] =	vst v63  }
0x135: {  	s19 =	sadd.s32 $0x2DC780, s19  }
0x136: {  	[tilespmem:s6], [sflag:$0x1] =	stream.linear.gather [hbm4b:s19+s2], $0x400, $0x38;
	[tilespmem:$0x11600] =	vst v63  }
0x137: {  	s19 =	spop (v2sf)  }
0x138: {  	(v2sf) =	vpush v34, $0x7;
	[tilespmem:s7], [sflag:$0x1] =	stream.linear.gather [hbm4b:s19+s2], $0x400, $0x38;
	[tilespmem:$0x11600] =	vst v63  }
0x139: {  	s14 =	sadd.s32 $0xF4280, s19  }
0x13a: {  	[tilespmem:s9], [sflag:$0x1] =	stream.linear.gather [hbm4b:s14+s2], $0x400, $0x38;
	[tilespmem:$0x11600] =	vst v63  }
0x13b: {  	s0 =	sadd.s32 $0x1E8500, s19;
	s9 =	simm.s32 $0x9800  }
0x13c: {  	[tilespmem:s9], [sflag:$0x1] =	stream.linear.gather [hbm4b:s0+s2], $0x400, $0x38;
	[tilespmem:$0x11600] =	vst v63  }
0x13d: {  	s19 =	sadd.s32 $0x2DC780, s19;
	s14 =	simm.s32 $0xD800  }
0x13e: {  	[tilespmem:s14], [sflag:$0x1] =	stream.linear.gather [hbm4b:s19+s2], $0x400, $0x38;
	[tilespmem:$0x11600] =	vst v63  }
0x13f: {  	s20 =	simm.s32 $0x1C00;
	s19 =	spop (v2sf)  }
0x140: {  	(v2sf) =	vpush v34, $0x8;
	[tilespmem:s20], [sflag:$0x1] =	stream.linear.gather [hbm4b:s19+s2], $0x400, $0x38;
	[tilespmem:$0x11600] =	vst v63  }
0x141: {  	s14 =	simm.s32 $0x5C00;
	s9 =	sadd.s32 $0xF4280, s19  }
0x142: {  	[tilespmem:s14], [sflag:$0x1] =	stream.linear.gather [hbm4b:s9+s2], $0x400, $0x38;
	[tilespmem:$0x11600] =	vst v63  }
0x143: {  	s0 =	sadd.s32 $0x1E8500, s19;
	s9 =	simm.s32 $0x9C00  }
0x144: {  	[tilespmem:s9], [sflag:$0x1] =	stream.linear.gather [hbm4b:s0+s2], $0x400, $0x38;
	[tilespmem:$0x11600] =	vst v63  }
0x145: {  	s19 =	sadd.s32 $0x2DC780, s19;
	s14 =	simm.s32 $0xDC00  }
0x146: {  	[tilespmem:s14], [sflag:$0x1] =	stream.linear.gather [hbm4b:s19+s2], $0x400, $0x38;
	[tilespmem:$0x11600] =	vst v63  }
0x147: {  	s20 =	simm.s32 $0x2000;
	s19 =	spop (v2sf)  }
0x148: {  	(v2sf) =	vpush v34, $0x9;
	[tilespmem:s20], [sflag:$0x1] =	stream.linear.gather [hbm4b:s19+s2], $0x400, $0x38;
	[tilespmem:$0x11600] =	vst v63  }
0x149: {  	s14 =	simm.s32 $0x6000;
	s9 =	sadd.s32 $0xF4280, s19  }
0x14a: {  	[tilespmem:s14], [sflag:$0x1] =	stream.linear.gather [hbm4b:s9+s2], $0x400, $0x38;
	[tilespmem:$0x11600] =	vst v63  }
0x14b: {  	s0 =	sadd.s32 $0x1E8500, s19;
	s9 =	simm.s32 $0xA000  }
0x14c: {  	[tilespmem:s9], [sflag:$0x1] =	stream.linear.gather [hbm4b:s0+s2], $0x400, $0x38;
	[tilespmem:$0x11600] =	vst v63  }
0x14d: {  	s19 =	sadd.s32 $0x2DC780, s19;
	s14 =	simm.s32 $0xE000  }
0x14e: {  	[tilespmem:s14], [sflag:$0x1] =	stream.linear.gather [hbm4b:s19+s2], $0x400, $0x38;
	[tilespmem:$0x11600] =	vst v63  }
0x14f: {  	s20 =	simm.s32 $0x2400;
	s19 =	spop (v2sf)  }
0x150: {  	(v2sf) =	vpush v34, $0xA;
	[tilespmem:s20], [sflag:$0x1] =	stream.linear.gather [hbm4b:s19+s2], $0x400, $0x38;
	[tilespmem:$0x11600] =	vst v63  }
0x151: {  	s14 =	simm.s32 $0x6400;
	s9 =	sadd.s32 $0xF4280, s19  }
0x152: {  	[tilespmem:s14], [sflag:$0x1] =	stream.linear.gather [hbm4b:s9+s2], $0x400, $0x38;
	[tilespmem:$0x11600] =	vst v63  }
0x153: {  	s0 =	sadd.s32 $0x1E8500, s19;
	s9 =	simm.s32 $0xA400  }
0x154: {  	[tilespmem:s9], [sflag:$0x1] =	stream.linear.gather [hbm4b:s0+s2], $0x400, $0x38;
	[tilespmem:$0x11600] =	vst v63  }
0x155: {  	s19 =	sadd.s32 $0x2DC780, s19;
	s14 =	simm.s32 $0xE400  }
0x156: {  	[tilespmem:s14], [sflag:$0x1] =	stream.linear.gather [hbm4b:s19+s2], $0x400, $0x38;
	[tilespmem:$0x11600] =	vst v63  }
0x157: {  	s20 =	simm.s32 $0x2800;
	s19 =	spop (v2sf)  }
0x158: {  	(v2sf) =	vpush v34, $0xB;
	[tilespmem:s20], [sflag:$0x1] =	stream.linear.gather [hbm4b:s19+s2], $0x400, $0x38;
	[tilespmem:$0x11600] =	vst v63  }
0x159: {  	s14 =	simm.s32 $0x6800;
	s9 =	sadd.s32 $0xF4280, s19  }
0x15a: {  	[tilespmem:s14], [sflag:$0x1] =	stream.linear.gather [hbm4b:s9+s2], $0x400, $0x38;
	[tilespmem:$0x11600] =	vst v63  }
0x15b: {  	s0 =	sadd.s32 $0x1E8500, s19;
	s9 =	simm.s32 $0xA800  }
0x15c: {  	[tilespmem:s9], [sflag:$0x1] =	stream.linear.gather [hbm4b:s0+s2], $0x400, $0x38;
	[tilespmem:$0x11600] =	vst v63  }
0x15d: {  	s19 =	sadd.s32 $0x2DC780, s19;
	s14 =	simm.s32 $0xE800  }
0x15e: {  	[tilespmem:s14], [sflag:$0x1] =	stream.linear.gather [hbm4b:s19+s2], $0x400, $0x38;
	[tilespmem:$0x11600] =	vst v63  }
0x15f: {  	s20 =	simm.s32 $0x2C00;
	s19 =	spop (v2sf)  }
0x160: {  	(v2sf) =	vpush v34, $0xC;
	[tilespmem:s20], [sflag:$0x1] =	stream.linear.gather [hbm4b:s19+s2], $0x400, $0x38;
	[tilespmem:$0x11600] =	vst v63  }
0x161: {  	s14 =	simm.s32 $0x6C00;
	s9 =	sadd.s32 $0xF4280, s19  }
0x162: {  	[tilespmem:s14], [sflag:$0x1] =	stream.linear.gather [hbm4b:s9+s2], $0x400, $0x38;
	[tilespmem:$0x11600] =	vst v63  }
0x163: {  	s0 =	sadd.s32 $0x1E8500, s19;
	s9 =	simm.s32 $0xAC00  }
0x164: {  	[tilespmem:s9], [sflag:$0x1] =	stream.linear.gather [hbm4b:s0+s2], $0x400, $0x38;
	[tilespmem:$0x11600] =	vst v63  }
0x165: {  	s19 =	sadd.s32 $0x2DC780, s19;
	s14 =	simm.s32 $0xEC00  }
0x166: {  	[tilespmem:s14], [sflag:$0x1] =	stream.linear.gather [hbm4b:s19+s2], $0x400, $0x38;
	[tilespmem:$0x11600] =	vst v63  }
0x167: {  	s20 =	simm.s32 $0x3000;
	s19 =	spop (v2sf)  }
0x168: {  	(v2sf) =	vpush v34, $0xD;
	[tilespmem:s20], [sflag:$0x1] =	stream.linear.gather [hbm4b:s19+s2], $0x400, $0x38;
	[tilespmem:$0x11600] =	vst v63  }
0x169: {  	s14 =	simm.s32 $0x7000;
	s9 =	sadd.s32 $0xF4280, s19  }
0x16a: {  	[tilespmem:s14], [sflag:$0x1] =	stream.linear.gather [hbm4b:s9+s2], $0x400, $0x38;
	[tilespmem:$0x11600] =	vst v63  }
0x16b: {  	s0 =	sadd.s32 $0x1E8500, s19;
	s9 =	simm.s32 $0xB000  }
0x16c: {  	[tilespmem:s9], [sflag:$0x1] =	stream.linear.gather [hbm4b:s0+s2], $0x400, $0x38;
	[tilespmem:$0x11600] =	vst v63  }
0x16d: {  	s19 =	sadd.s32 $0x2DC780, s19;
	s14 =	simm.s32 $0xF000  }
0x16e: {  	[tilespmem:s14], [sflag:$0x1] =	stream.linear.gather [hbm4b:s19+s2], $0x400, $0x38;
	[tilespmem:$0x11600] =	vst v63  }
0x16f: {  	s20 =	simm.s32 $0x3400;
	s19 =	spop (v2sf)  }
0x170: {  	(v2sf) =	vpush v34, $0xE;
	[tilespmem:s20], [sflag:$0x1] =	stream.linear.gather [hbm4b:s19+s2], $0x400, $0x38;
	[tilespmem:$0x11600] =	vst v63  }
0x171: {  	s14 =	simm.s32 $0x7400;
	s9 =	sadd.s32 $0xF4280, s19  }
0x172: {  	[tilespmem:s14], [sflag:$0x1] =	stream.linear.gather [hbm4b:s9+s2], $0x400, $0x38;
	[tilespmem:$0x11600] =	vst v63  }
0x173: {  	s0 =	sadd.s32 $0x1E8500, s19;
	s9 =	simm.s32 $0xB400  }
0x174: {  	[tilespmem:s9], [sflag:$0x1] =	stream.linear.gather [hbm4b:s0+s2], $0x400, $0x38;
	[tilespmem:$0x11600] =	vst v63  }
0x175: {  	s19 =	sadd.s32 $0x2DC780, s19;
	s14 =	simm.s32 $0xF400  }
0x176: {  	[tilespmem:s14], [sflag:$0x1] =	stream.linear.gather [hbm4b:s19+s2], $0x400, $0x38;
	[tilespmem:$0x11600] =	vst v63  }
0x177: {  	s20 =	simm.s32 $0x3800;
	s19 =	spop (v2sf)  }
0x178: {  	(v2sf) =	vpush v34, $0xF;
	[tilespmem:s20], [sflag:$0x1] =	stream.linear.gather [hbm4b:s19+s2], $0x400, $0x38;
	[tilespmem:$0x11600] =	vst v63  }
0x179: {  	s14 =	simm.s32 $0x7800;
	s9 =	sadd.s32 $0xF4280, s19  }
0x17a: {  	[tilespmem:s14], [sflag:$0x1] =	stream.linear.gather [hbm4b:s9+s2], $0x400, $0x38;
	[tilespmem:$0x11600] =	vst v63  }
0x17b: {  	s0 =	sadd.s32 $0x1E8500, s19;
	s9 =	simm.s32 $0xB800  }
0x17c: {  	[tilespmem:s9], [sflag:$0x1] =	stream.linear.gather [hbm4b:s0+s2], $0x400, $0x38;
	[tilespmem:$0x11600] =	vst v63  }
0x17d: {  	s19 =	sadd.s32 $0x2DC780, s19;
	s14 =	simm.s32 $0xF800  }
0x17e: {  	[tilespmem:s14], [sflag:$0x1] =	stream.linear.gather [hbm4b:s19+s2], $0x400, $0x38;
	[tilespmem:$0x11600] =	vst v63  }
0x17f: {  	s20 =	simm.s32 $0x3C00;
	s19 =	spop (v2sf)  }
0x180: {  	[tilespmem:s20], [sflag:$0x1] =	stream.linear.gather [hbm4b:s19+s2], $0x400, $0x38;
	[tilespmem:$0x11600] =	vst v63  }
0x181: {  	s14 =	simm.s32 $0x7C00;
	s9 =	sadd.s32 $0xF4280, s19  }
0x182: {  	[tilespmem:s14], [sflag:$0x1] =	stream.linear.gather [hbm4b:s9+s2], $0x400, $0x38;
	[tilespmem:$0x11600] =	vst v63  }
0x183: {  	s0 =	sadd.s32 $0x1E8500, s19;
	s9 =	simm.s32 $0xBC00  }
0x184: {  	[tilespmem:s9], [sflag:$0x1] =	stream.linear.gather [hbm4b:s0+s2], $0x400, $0x38;
	[tilespmem:$0x11600] =	vst v63  }
0x185: {  	s19 =	sadd.s32 $0x2DC780, s19;
	s14 =	simm.s32 $0xFC00  }
0x186: {  	[tilespmem:s14], [sflag:$0x1] =	stream.linear.gather [hbm4b:s19+s2], $0x400, $0x38;
	[tilespmem:$0x11600] =	vst v63  }
0x187: {  	s20 =	simm.s32 $0x4000;
	s19 =	spop (v2sf)  }
0x188: {  	[tilespmem:s20], [sflag:$0x1] =	stream.linear.gather [hbm4b:s19+s2], $0x400, $0x38;
	[tilespmem:$0x11600] =	vst v63  }
0x189: {  	s14 =	simm.s32 $0x8000;
	s9 =	sadd.s32 $0xF4280, s19  }
0x18a: {  	[tilespmem:s14], [sflag:$0x1] =	stream.linear.gather [hbm4b:s9+s2], $0x400, $0x38;
	[tilespmem:$0x11600] =	vst v63  }
0x18b: {  	s9 =	sadd.s32 $0x1E8500, s19;
	s14 =	simm.s32 $0xC000  }
0x18c: {  	[tilespmem:s14], [sflag:$0x1] =	stream.linear.gather [hbm4b:s9+s2], $0x400, $0x38;
	[tilespmem:$0x11600] =	vst v63  }
0x18d: {  	s20 =	simm.s32 $0x10000;
	s19 =	sadd.s32 $0x2DC780, s19  }
0x18e: {  	[tilespmem:s20], [sflag:$0x1] =	stream.linear.gather [hbm4b:s19+s2], $0x400, $0x38;
	[tilespmem:$0x11600] =	vst v63  }
0x18f: {  	_ =	swait.ge [sflag:s10], $0x10000  }
0x190: {  	[sflag:s10] =	ssyncset.done $0x0  }
0x191: {  	s9 =	simm.s32 $0x200;
	[sflag:s10] =	ssyncadd.s32 $0xFFFF0000  }
0x192: {  	v33 =	vld.idx.msk [tilespmem:v33+s9+$0x0], $0xffff;
	_ =	sdelay $0x4  }
0x193: {  	v33 =	vand.u32 $0x7F, v33  }
0x194: {  	v51 =	vor.u32 v1, v33;
	_ =	sdelay $0x1  }
0x195: {  	v52 =	vor.u32 v2, v33;
	_ =	sdelay $0x1  }
0x196: {  	v37 =	vld [tilespmem:$0x10400];
	v53 =	vor.u32 v3, v33  }
0x197: {  	v34 =	vld.idx.msk [tilespmem:v51+s8+$0x0], $0xffff  }
0x198: {  	v39 =	vld [tilespmem:$0x10480];
	v38 =	vor.u32 v4, v33  }
0x199: {  	v35 =	vld.idx.msk [tilespmem:v52+s8+$0x0], $0xffff  }
0x19a: {  	v41 =	vld [tilespmem:$0x10500];
	v40 =	vor.u32 v5, v33  }
0x19b: {  	v36 =	vld.idx.msk [tilespmem:v53+s8+$0x0], $0xffff  }
0x19c: {  	v55 =	vld [tilespmem:$0x10580];
	v42 =	vor.u32 v6, v33;
	v34 =	vmul.f32 v37, v34  }
0x19d: {  	v54 =	vld.idx.msk [tilespmem:v38+s8+$0x0], $0xffff  }
0x19e: {  	v57 =	vld [tilespmem:$0x10600];
	v43 =	vor.u32 v7, v33;
	v35 =	vmul.f32 v39, v35;
	v34 =	vadd.f32 $0.0e+00, v34  }
0x19f: {  	v44 =	vor.u32 v8, v33;
	v56 =	vld.idx.msk [tilespmem:v40+s8+$0x0], $0xffff  }
0x1a0: {  	v60 =	vld [tilespmem:$0x10680];
	v58 =	vmul.f32 v41, v36;
	v34 =	vadd.f32 v35, v34  }
0x1a1: {  	v61 =	vor.u32 v9, v33;
	v59 =	vld.idx.msk [tilespmem:v42+s8+$0x0], $0xffff  }
0x1a2: {  	v48 =	vld [tilespmem:$0x10700];
	v62 =	vmul.f32 v55, v54;
	v34 =	vadd.f32 v58, v34  }
0x1a3: {  	v49 =	vor.u32 v10, v33;
	v63 =	vld.idx.msk [tilespmem:v43+s8+$0x0], $0xffff  }
0x1a4: {  	v51 =	vld.idx.msk [tilespmem:v44+s8+$0x0], $0xffff;
	v50 =	vmul.f32 v57, v56;
	v34 =	vadd.f32 v62, v34  }
0x1a5: {  	v52 =	vld [tilespmem:$0x10780];
	v53 =	vor.u32 v11, v33  }
0x1a6: {  	v54 =	vmul.f32 v60, v59;
	v55 =	vld.idx.msk [tilespmem:v61+s8+$0x0], $0xffff;
	v34 =	vadd.f32 v50, v34  }
0x1a7: {  	v56 =	vld [tilespmem:$0x10800];
	v57 =	vor.u32 v12, v33  }
0x1a8: {  	v59 =	vld.idx.msk [tilespmem:v49+s8+$0x0], $0xffff;
	v58 =	vmul.f32 v48, v63;
	v34 =	vadd.f32 v54, v34  }
0x1a9: {  	v60 =	vld [tilespmem:$0x10880];
	v61 =	vor.u32 v13, v33  }
0x1aa: {  	v63 =	vld.idx.msk [tilespmem:v53+s8+$0x0], $0xffff;
	v62 =	vmul.f32 v52, v51;
	v34 =	vadd.f32 v58, v34  }
0x1ab: {  	v49 =	vor.u32 v14, v33;
	v48 =	vld [tilespmem:$0x10900]  }
0x1ac: {  	v51 =	vld.idx.msk [tilespmem:v57+s8+$0x0], $0xffff;
	v50 =	vmul.f32 v56, v55;
	v34 =	vadd.f32 v62, v34  }
0x1ad: {  	v53 =	vor.u32 v15, v33;
	v52 =	vld [tilespmem:$0x10980]  }
0x1ae: {  	v55 =	vld.idx.msk [tilespmem:v61+s8+$0x0], $0xffff;
	v54 =	vmul.f32 v60, v59;
	v34 =	vadd.f32 v50, v34  }
0x1af: {  	v57 =	vor.u32 v16, v33;
	v56 =	vld [tilespmem:$0x10A00]  }
0x1b0: {  	v59 =	vld.idx.msk [tilespmem:v49+s8+$0x0], $0xffff;
	v58 =	vmul.f32 v48, v63;
	v34 =	vadd.f32 v54, v34  }
0x1b1: {  	v61 =	vor.u32 v17, v33;
	v60 =	vld [tilespmem:$0x10A80]  }
0x1b2: {  	v63 =	vld.idx.msk [tilespmem:v53+s8+$0x0], $0xffff;
	v62 =	vmul.f32 v52, v51;
	v34 =	vadd.f32 v58, v34  }
0x1b3: {  	v49 =	vor.u32 v18, v33;
	v48 =	vld [tilespmem:$0x10B00]  }
0x1b4: {  	v51 =	vld.idx.msk [tilespmem:v57+s8+$0x0], $0xffff;
	v50 =	vmul.f32 v56, v55;
	v34 =	vadd.f32 v62, v34  }
0x1b5: {  	v53 =	vor.u32 v19, v33;
	v52 =	vld [tilespmem:$0x10B80]  }
0x1b6: {  	v55 =	vld.idx.msk [tilespmem:v61+s8+$0x0], $0xffff;
	v54 =	vmul.f32 v60, v59;
	v34 =	vadd.f32 v50, v34  }
0x1b7: {  	v57 =	vor.u32 v20, v33;
	v56 =	vld [tilespmem:$0x10C00]  }
0x1b8: {  	v59 =	vld.idx.msk [tilespmem:v49+s8+$0x0], $0xffff;
	v58 =	vmul.f32 v48, v63;
	v34 =	vadd.f32 v54, v34  }
0x1b9: {  	v61 =	vor.u32 v21, v33;
	v60 =	vld [tilespmem:$0x10C80]  }
0x1ba: {  	v63 =	vld.idx.msk [tilespmem:v53+s8+$0x0], $0xffff;
	v62 =	vmul.f32 v52, v51;
	v34 =	vadd.f32 v58, v34  }
0x1bb: {  	v49 =	vor.u32 v22, v33;
	v48 =	vld [tilespmem:$0x10D00]  }
0x1bc: {  	v51 =	vld.idx.msk [tilespmem:v57+s8+$0x0], $0xffff;
	v50 =	vmul.f32 v56, v55;
	v34 =	vadd.f32 v62, v34  }
0x1bd: {  	v53 =	vor.u32 v23, v33;
	v52 =	vld [tilespmem:$0x10D80]  }
0x1be: {  	v55 =	vld.idx.msk [tilespmem:v61+s8+$0x0], $0xffff;
	v54 =	vmul.f32 v60, v59;
	v34 =	vadd.f32 v50, v34  }
0x1bf: {  	v57 =	vor.u32 v24, v33;
	v56 =	vld [tilespmem:$0x10E00]  }
0x1c0: {  	v59 =	vld.idx.msk [tilespmem:v49+s8+$0x0], $0xffff;
	v58 =	vmul.f32 v48, v63;
	v34 =	vadd.f32 v54, v34  }
0x1c1: {  	v61 =	vor.u32 v25, v33;
	v60 =	vld [tilespmem:$0x10E80]  }
0x1c2: {  	v63 =	vld.idx.msk [tilespmem:v53+s8+$0x0], $0xffff;
	v62 =	vmul.f32 v52, v51;
	v34 =	vadd.f32 v58, v34  }
0x1c3: {  	v49 =	vor.u32 v26, v33;
	v48 =	vld [tilespmem:$0x10F00]  }
0x1c4: {  	v51 =	vld.idx.msk [tilespmem:v57+s8+$0x0], $0xffff;
	v50 =	vmul.f32 v56, v55;
	v34 =	vadd.f32 v62, v34  }
0x1c5: {  	v52 =	vld [tilespmem:$0x10F80]  }
0x1c6: {  	v53 =	vor.u32 v27, v33;
	v55 =	vld.idx.msk [tilespmem:v61+s8+$0x0], $0xffff;
	v54 =	vmul.f32 v60, v59;
	v34 =	vadd.f32 v50, v34  }
0x1c7: {  	v56 =	vld [tilespmem:$0x11000]  }
0x1c8: {  	v57 =	vor.u32 v28, v33;
	v59 =	vld.idx.msk [tilespmem:v49+s8+$0x0], $0xffff;
	v58 =	vmul.f32 v48, v63;
	v34 =	vadd.f32 v54, v34  }
0x1c9: {  	v60 =	vld [tilespmem:$0x11080]  }
0x1ca: {  	v45 =	vld [tilespmem:$0x11100];
	v61 =	vor.u32 v29, v33;
	v62 =	vmul.f32 v52, v51;
	v34 =	vadd.f32 v58, v34  }
0x1cb: {  	v46 =	vor.u32 v30, v33;
	v63 =	vld.idx.msk [tilespmem:v53+s8+$0x0], $0xffff  }
0x1cc: {  	v49 =	vld [tilespmem:$0x11180];
	v47 =	vmul.f32 v56, v55;
	v34 =	vadd.f32 v62, v34  }
0x1cd: {  	v48 =	vld.idx.msk [tilespmem:v57+s8+$0x0], $0xffff  }
0x1ce: {  	v53 =	vld [tilespmem:$0x11200];
	v51 =	vmul.f32 v60, v59;
	v50 =	vor.u32 v31, v33;
	v34 =	vadd.f32 v47, v34  }
0x1cf: {  	v52 =	vld.idx.msk [tilespmem:v61+s8+$0x0], $0xffff  }
0x1d0: {  	v55 =	vld.idx.msk [tilespmem:v46+s8+$0x0], $0xffff;
	v33 =	vor.u32 v32, v33;
	v54 =	vmul.f32 v45, v63;
	v34 =	vadd.f32 v51, v34  }
0x1d1: {  	v56 =	vld [tilespmem:$0x11280]  }
0x1d2: {  	v59 =	vld [tilespmem:$0x11300];
	v57 =	vmul.f32 v49, v48;
	v34 =	vadd.f32 v54, v34  }
0x1d3: {  	v58 =	vld.idx.msk [tilespmem:v50+s8+$0x0], $0xffff  }
0x1d4: {  	v61 =	vld [tilespmem:$0x11380];
	v60 =	vmul.f32 v53, v52;
	v34 =	vadd.f32 v57, v34  }
0x1d5: {  	v33 =	vld.idx.msk [tilespmem:v33+s8+$0x0], $0xffff  }
0x1d6: {  	v62 =	vmul.f32 v56, v55;
	v34 =	vadd.f32 v60, v34;
	_ =	sdelay $0x1  }
0x1d7: {  	v63 =	vmul.f32 v59, v58;
	v34 =	vadd.f32 v62, v34  }
0x1d8: {  	p0 =	sne.s32 s18, $0x1F0  }
.Ltmp0:
0x1d9: {  	v33 =	vmul.f32 v61, v33;
	v34 =	vadd.f32 v63, v34;
	(pc) =	sbr.rel @p0 .LBB2_2-.Ltmp0, $4  }
0x1da: {  	_ = 	snop  }
0x1db: {  	v33 =	vadd.f32 v33, v34  }
0x1dc: {  	s17 =	sadd.s32 $0x10, s17  }
0x1dd: {  	s18 =	sadd.s32 $0x10, s18;
	s16 =	sadd.s32 $0x10, s16;
	[tilespmem:s15+$0x0] =	vst v33;
	s15 =	sadd.s32 $0x10, s15  }
0x1de: {  	s15 =	rddreg [dreg:$0xa];
	s0 =	simm.s32 $0x11400;
	s16 =	simm.s32 $0x2  }
0x1df: {  	[hbm4b:s15+s2] =	stream.linear.scatter [tilespmem:s0], [sflag:$0x2], $0x200, $0x38;
	[tilespmem:$0x11600] =	vst v63  }
0x1e0: {  	_ =	swait.ge [sflag:s16], $0x200  }
0x1e1: {  	s19 =	rddreg [dreg:$0xc]  }
0x1e2: {  	s20 =	rddreg [dreg:$0xb];
	s0 =	sadd.s32 $0x1, s19  }
0x1e3: {  	p0 =	sne.s32 s0, s20  }
.Ltmp1:
0x1e4: {  	_ = 	snop;
	(pc) =	sbr.rel @p0 .LBB2_1-.Ltmp1, $3  }
0x1e5: {  	_ =	sdelay $0x1  }
0x1e6: {  	[sflag:s16] =	ssyncset.done $0x0  }
0x1e7: {  	[sflag:s16] =	ssyncadd.s32 $0xFFFFFE00  }
0x1e8: {  	_ =	sfence.sel $0x180000  }
0x1e9: {  	[bflag:$0x0] =	sbarrier.arrive $0xFFFF  }
0x1ea: {  	_ =	strace $0x90000047  }
0x1eb: {  	s0 =	stileid.u32;
	[bflag:$0x2] =	sbarrier.arrive $0xFFFF  }
0x1ec: {  	p0 =	sne.s32 s0, $0x0;
	s0 =	rddreg [dreg:$0x5]  }
0x1ed: {  	s0 =	sadd.s32 @!p0 $0x100000, s0  }
0x1ee: {  	[sflag:s0] =	ssyncadd.tile.s32 @!p0 $0x1;
	_ =	shalt  }
.Lfunc_end2:
_tile_overlayer_lowered:
.L_overlay_start_2:
0x1ef: {  	(tag) =	ssettag $0x2  }
0x1f0: {  	s0 =	rddreg [dreg:$0x0];
	s2 =	stileid.u32  }
0x1f1: {  	s1 =	rddreg [dreg:$0x1];
	p0 =	sne.s32 s2, $0x0  }
0x1f2: {  	s3 =	rddreg [dreg:$0x2];
	[bflag:$0x3] =	sbarrier.arrive $0xFFFF;
	s2 =	simm.s32 @!p0 $0x1C02  }
0x1f3: {  	[timem:s3], [sflag:s2] =	dma.local @!p0 [hbm:s0], s1  }
0x1f4: {  	s0 =	simm.s32 @!p0 $0x2  }
0x1f5: {  	_ =	swait.ge @!p0 [sflag:s0], s1  }
0x1f6: {  	s1 =	ssub.s32 @!p0 $0x0, s1;
	[sflag:s0] =	ssyncset.done @!p0 $0x0  }
0x1f7: {  	[sflag:s0] =	ssyncadd.s32 @!p0 s1  }
0x1f8: {  	[bflag:$0x3] =	sbarrier.arrive $0xFFFF  }
0x1f9: {  	_ =	shalt  }

</sc_bundles>
